<compile_context>
chip_gen: v7x
topology: tpu7x:2x2x1
jax: 0.10.2.dev20260603
libtpu: 0.0.44.dev20260713+nightly
codegen_flags: <defaults>
</compile_context>

<pallas_src>
import functools

import jax
import jax.numpy as jnp
from jax import lax
from jax.experimental import pallas as pl
from jax.experimental.pallas import tpu as pltpu
from jax.experimental.pallas import tpu_sc as plsc

N, E, D, H, C = 10000, 160000, 256, 16, 40

NC, NS = 2, 16
NW = NC * NS
K = 128
NP = 10240
RPS = NP // NS
EPAD = 163840
CH = EPAD // (NW * K)

_mesh = plsc.VectorSubcoreMesh(core_axis_name="c", subcore_axis_name="s")


def _make_sc_agg(width, with_cnt):
    out_types = [jax.ShapeDtypeStruct((NC, NP, width), jnp.float32)]
    scratch = [
        pltpu.VMEM((K,), jnp.int32),
        pltpu.VMEM((K,), jnp.int32),
        pltpu.VMEM((K, width), jnp.float32),
        pltpu.VMEM_SHARED((NP, width), jnp.float32),
        pltpu.SemaphoreType.DMA,
    ]
    if with_cnt:
        out_types.append(jax.ShapeDtypeStruct((NC, NP, 16), jnp.float32))
        scratch += [
            pltpu.VMEM((K, 16), jnp.float32),
            pltpu.VMEM_SHARED((NP, 16), jnp.float32),
        ]

    def body(table_hbm, src_hbm, dst_hbm, zrow_hbm, *rest):
        if with_cnt:
            (zcnt_hbm, ones_hbm, acc_out, cnt_out,
             src_v, dst_v, rows_v, acc_sh, sem, ones_v, cnt_sh) = rest
        else:
            acc_out, src_v, dst_v, rows_v, acc_sh, sem = rest
        cid = lax.axis_index("c")
        sid = lax.axis_index("s")
        wid = cid * NS + sid
        rbase = sid * RPS
        pltpu.sync_copy(zrow_hbm.at[pl.ds(rbase, RPS)],
                        acc_sh.at[pl.ds(rbase, RPS)])
        if with_cnt:
            pltpu.sync_copy(zcnt_hbm.at[pl.ds(rbase, RPS)],
                            cnt_sh.at[pl.ds(rbase, RPS)])
            pltpu.sync_copy(ones_hbm, ones_v)
        plsc.subcore_barrier()

        def chunk(j, carry):
            base = (wid * CH + j) * K
            pltpu.sync_copy(src_hbm.at[pl.ds(base, K)], src_v)
            pltpu.sync_copy(dst_hbm.at[pl.ds(base, K)], dst_v)
            pltpu.async_copy(table_hbm.at[src_v], rows_v, sem).wait()
            pltpu.sync_copy(rows_v, acc_sh.at[dst_v], add=True)
            if with_cnt:
                pltpu.sync_copy(ones_v, cnt_sh.at[dst_v], add=True)
            return carry

        lax.fori_loop(0, CH, chunk, 0)
        plsc.subcore_barrier()
        pltpu.sync_copy(acc_sh.at[pl.ds(rbase, RPS)],
                        acc_out.at[cid, pl.ds(rbase, RPS)])
        if with_cnt:
            pltpu.sync_copy(cnt_sh.at[pl.ds(rbase, RPS)],
                            cnt_out.at[cid, pl.ds(rbase, RPS)])

    return pl.kernel(body, out_type=tuple(out_types), mesh=_mesh,
                     scratch_types=scratch,
                     compiler_params=pltpu.CompilerParams(
                         use_tc_tiling_on_sc=False))


_sc_agg1 = _make_sc_agg(H, with_cnt=True)
_sc_agg2 = _make_sc_agg(C, with_cnt=False)



_BR = 2048


def _proj1_body(x_ref, wl_ref, wr_ref, y_ref, z_ref):
    xb = x_ref[...]
    y_ref[...] = jnp.dot(xb, wl_ref[...], preferred_element_type=jnp.float32)
    z_ref[...] = jnp.dot(xb, wr_ref[...], preferred_element_type=jnp.float32)


def _mid_body(agg_a, agg_b, cnt_a, cnt_b, z1_ref, b1_ref, wl_ref, wr_ref,
              y2_ref, z2_ref, inv_ref):
    cnt = cnt_a[:, :1] + cnt_b[:, :1]
    inv = 1.0 / jnp.maximum(cnt, 1.0)
    h = jnp.maximum((agg_a[...] + agg_b[...]) * inv + b1_ref[...] + z1_ref[...],
                    0.0)
    y2_ref[...] = jnp.dot(h, wl_ref[...], preferred_element_type=jnp.float32)
    z2_ref[...] = jnp.dot(h, wr_ref[...], preferred_element_type=jnp.float32)
    inv_ref[...] = inv


def _out_body(agg_a, agg_b, inv_ref, z2_ref, b2_ref, o_ref):
    o = (agg_a[...] + agg_b[...]) * inv_ref[...] + b2_ref[...] + z2_ref[...]
    m = jnp.max(o, axis=1, keepdims=True)
    s = jnp.sum(jnp.exp(o - m), axis=1, keepdims=True)
    o_ref[...] = (o - m) - jnp.log(s)


def _row_spec(width):
    return pl.BlockSpec((_BR, width), lambda i: (i, 0))


def _full_spec(r, c):
    return pl.BlockSpec((r, c), lambda i: (0, 0))


_proj1 = pl.pallas_call(
    _proj1_body,
    grid=(NP // _BR,),
    in_specs=[_row_spec(D), _full_spec(D, H), _full_spec(D, H)],
    out_specs=[_row_spec(H), _row_spec(H)],
    out_shape=[jax.ShapeDtypeStruct((NP, H), jnp.float32)] * 2,
)

_mid = pl.pallas_call(
    _mid_body,
    grid=(NP // _BR,),
    in_specs=[_row_spec(H), _row_spec(H), _row_spec(16), _row_spec(16),
              _row_spec(H), _full_spec(1, H), _full_spec(H, C),
              _full_spec(H, C)],
    out_specs=[_row_spec(C), _row_spec(C), _row_spec(1)],
    out_shape=[jax.ShapeDtypeStruct((NP, C), jnp.float32)] * 2
    + [jax.ShapeDtypeStruct((NP, 1), jnp.float32)],
)

_out = pl.pallas_call(
    _out_body,
    grid=(NP // _BR,),
    in_specs=[_row_spec(C), _row_spec(C), _row_spec(1), _row_spec(C),
              _full_spec(1, C)],
    out_specs=_row_spec(C),
    out_shape=jax.ShapeDtypeStruct((NP, C), jnp.float32),
)


def kernel(x, edge_index, W1l, W1r, b1, W2l, W2r, b2):
    xp = jnp.pad(x, ((0, NP - N), (0, 0)))
    src = jnp.concatenate([edge_index[0], jnp.zeros((EPAD - E,), jnp.int32)])
    dst = jnp.concatenate([edge_index[1], jnp.full((EPAD - E,), N, jnp.int32)])
    zrow1 = jnp.zeros((NP, H), jnp.float32)
    zcnt = jnp.zeros((NP, 16), jnp.float32)
    ones = jnp.ones((K, 16), jnp.float32)
    zrow2 = jnp.zeros((NP, C), jnp.float32)

    y1, z1 = _proj1(xp, W1l, W1r)
    agg1, cnt = _sc_agg1(y1, src, dst, zrow1, zcnt, ones)
    y2, z2, inv = _mid(agg1[0], agg1[1], cnt[0], cnt[1], z1,
                       b1.reshape(1, H), W2l, W2r)
    agg2 = _sc_agg2(y2, src, dst, zrow2)
    if isinstance(agg2, (list, tuple)):
        agg2 = agg2[0]
    out = _out(agg2[0], agg2[1], inv, z2, b2.reshape(1, C))
    return out[:N]

# --- scband reference (transcript-rebuilt; emitter-appended) ---
"""Pipeline reference for scband-sage-29386166239466 (READ-ONLY COPY).

The authoritative reference and input builder live on the scoring server;
editing this copy changes nothing except your own understanding.
"""

import jax, jax.numpy as jnp
import numpy as np

N, E, D, H, C = 10000, 160000, 256, 16, 40


def setup_inputs(seed: int = 0) -> dict:
    key = jax.random.key(seed)
    ks = jax.random.split(key, 9)
    x = jax.random.normal(ks[0], (N, D), dtype=jnp.float32)
    edge_index = jax.random.randint(ks[1], (2, E), 0, N, dtype=jnp.int32)
    W1l = jax.random.normal(ks[2], (D, H), dtype=jnp.float32) * (1.0 / np.sqrt(D))
    W1r = jax.random.normal(ks[3], (D, H), dtype=jnp.float32) * (1.0 / np.sqrt(D))
    b1 = jnp.zeros((H,), dtype=jnp.float32)
    W2l = jax.random.normal(ks[4], (H, C), dtype=jnp.float32) * (1.0 / np.sqrt(H))
    W2r = jax.random.normal(ks[5], (H, C), dtype=jnp.float32) * (1.0 / np.sqrt(H))
    b2 = jnp.zeros((C,), dtype=jnp.float32)
    return {"x": x, "edge_index": edge_index, "W1l": W1l, "W1r": W1r, "b1": b1, "W2l": W2l, "W2r": W2r, "b2": b2}


def sage_conv(x, edge_index, Wl, Wr, b):
    # PyG SAGEConv with mean aggregation:
    # out = lin_l(mean_{j in N(i)} x_j) + lin_r(x_i); bias lives in lin_l
    src = edge_index[0]
    dst = edge_index[1]
    msgs = jnp.take(x, src, axis=0)
    summed = jax.ops.segment_sum(msgs, dst, num_segments=x.shape[0])
    cnt = jax.ops.segment_sum(jnp.ones((edge_index.shape[1],), dtype=x.dtype), dst, num_segments=x.shape[0])
    mean = summed / jnp.clip(cnt, 1.0, None)[:, None]
    return mean @ Wl + b + x @ Wr


def reference(x, edge_index, W1l, W1r, b1, W2l, W2r, b2):
    h = jax.nn.relu(sage_conv(x, edge_index, W1l, W1r, b1))
    # dropout is identity in eval mode (training=False)
    out = sage_conv(h, edge_index, W2l, W2r, b2)
    return jax.nn.log_softmax(out, axis=1)

if __name__ == "__main__":
    import jax
    _d = setup_inputs()
    print(jax.jit(kernel)(*tuple(_d.values())))

</pallas_src>

<mosaic_0001>
#map = affine_map<(d0, d1) -> (0, 0)>
#map1 = affine_map<(d0, d1) -> (0)>
#map2 = affine_map<(d0, d1) -> (0, 0, 0)>
module attributes {stable_mosaic.version = 14 : i64} {
  func.func @body(%arg0: i32, %arg1: i32, %arg2: memref<10240x16xf32, #tpu.memory_space<hbm>>, %arg3: memref<163840xi32, #tpu.memory_space<hbm>>, %arg4: memref<163840xi32, #tpu.memory_space<hbm>>, %arg5: memref<10240x16xf32, #tpu.memory_space<hbm>>, %arg6: memref<10240x16xf32, #tpu.memory_space<hbm>>, %arg7: memref<128x16xf32, #tpu.memory_space<hbm>>, %arg8: memref<2x10240x16xf32, #tpu.memory_space<hbm>>, %arg9: memref<2x10240x16xf32, #tpu.memory_space<hbm>>, %arg10: memref<128xi32, #tpu.memory_space<vmem>>, %arg11: memref<128xi32, #tpu.memory_space<vmem>>, %arg12: memref<128x16xf32, #tpu.memory_space<vmem>>, %arg13: memref<10240x16xf32, #tpu.memory_space<vmem_shared>>, %arg14: memref<!tpu.dma_semaphore, #tpu.memory_space<semaphore_mem>>, %arg15: memref<128x16xf32, #tpu.memory_space<vmem>>, %arg16: memref<10240x16xf32, #tpu.memory_space<vmem_shared>>) attributes {dimension_semantics = [#tpu.dimension_semantics<core_parallel>, #tpu.dimension_semantics<subcore_parallel>], iteration_bounds = array<i64: 2, 16>, scalar_prefetch = 0 : i64, scratch_operands = 7 : i64, tpu.core_type = #tpu.core_type<sc_vector_subcore>, window_params = [{transform_indices = #map}, {transform_indices = #map1}, {transform_indices = #map1}, {transform_indices = #map}, {transform_indices = #map}, {transform_indices = #map}, {transform_indices = #map2}, {transform_indices = #map2}]} {
    %mul3A = arith.constant 16 : i32
    %mul3A_0 = arith.muli %arg0, %mul3A : i32
    %add3A = arith.addi %mul3A_0, %arg1 : i32
    %mul3A_1 = arith.constant 640 : i32
    %mul3A_2 = arith.muli %arg1, %mul3A_1 : i32
    "tpu.region"() ({
      %run_scoped3A = tpu.sem_alloc : memref<!tpu.dma_semaphore, #tpu.memory_space<semaphore_mem>>
      %dma_start3A = arith.constant 0 : i32
      %dma_start3A_9 = tpu.memref_slice %arg13[%mul3A_2, %dma_start3A] : memref<10240x16xf32, #tpu.memory_space<vmem_shared>> -> memref<640x16xf32, #tpu.memory_space<vmem_shared>>
      %dma_start3A_10 = arith.constant 0 : i32
      %dma_start3A_11 = tpu.memref_slice %arg5[%mul3A_2, %dma_start3A_10] : memref<10240x16xf32, #tpu.memory_space<hbm>> -> memref<640x16xf32, #tpu.memory_space<hbm>>
      tpu.enqueue_dma source(%dma_start3A_11 : memref<640x16xf32, #tpu.memory_space<hbm>>) target(%dma_start3A_9 : memref<640x16xf32, #tpu.memory_space<vmem_shared>>) target_semaphore(%run_scoped3A : memref<!tpu.dma_semaphore, #tpu.memory_space<semaphore_mem>>)
      %dma_wait3A = arith.constant 0 : i32
      %dma_wait3A_12 = tpu.memref_slice %arg13[%mul3A_2, %dma_wait3A] : memref<10240x16xf32, #tpu.memory_space<vmem_shared>> -> memref<640x16xf32, #tpu.memory_space<vmem_shared>>
      %dma_wait3A_13 = arith.constant 0 : i32
      %dma_wait3A_14 = tpu.memref_slice %arg5[%mul3A_2, %dma_wait3A_13] : memref<10240x16xf32, #tpu.memory_space<hbm>> -> memref<640x16xf32, #tpu.memory_space<hbm>>
      tpu.wait_dma2 semaphore(%run_scoped3A : memref<!tpu.dma_semaphore, #tpu.memory_space<semaphore_mem>>) src(%dma_wait3A_14 : memref<640x16xf32, #tpu.memory_space<hbm>>) dst(%dma_wait3A_12 : memref<640x16xf32, #tpu.memory_space<vmem_shared>>)
      tpu.yield
    }) : () -> ()
    "tpu.region"() ({
      %run_scoped3A = tpu.sem_alloc : memref<!tpu.dma_semaphore, #tpu.memory_space<semaphore_mem>>
      %dma_start3A = arith.constant 0 : i32
      %dma_start3A_9 = tpu.memref_slice %arg16[%mul3A_2, %dma_start3A] : memref<10240x16xf32, #tpu.memory_space<vmem_shared>> -> memref<640x16xf32, #tpu.memory_space<vmem_shared>>
      %dma_start3A_10 = arith.constant 0 : i32
      %dma_start3A_11 = tpu.memref_slice %arg6[%mul3A_2, %dma_start3A_10] : memref<10240x16xf32, #tpu.memory_space<hbm>> -> memref<640x16xf32, #tpu.memory_space<hbm>>
      tpu.enqueue_dma source(%dma_start3A_11 : memref<640x16xf32, #tpu.memory_space<hbm>>) target(%dma_start3A_9 : memref<640x16xf32, #tpu.memory_space<vmem_shared>>) target_semaphore(%run_scoped3A : memref<!tpu.dma_semaphore, #tpu.memory_space<semaphore_mem>>)
      %dma_wait3A = arith.constant 0 : i32
      %dma_wait3A_12 = tpu.memref_slice %arg16[%mul3A_2, %dma_wait3A] : memref<10240x16xf32, #tpu.memory_space<vmem_shared>> -> memref<640x16xf32, #tpu.memory_space<vmem_shared>>
      %dma_wait3A_13 = arith.constant 0 : i32
      %dma_wait3A_14 = tpu.memref_slice %arg6[%mul3A_2, %dma_wait3A_13] : memref<10240x16xf32, #tpu.memory_space<hbm>> -> memref<640x16xf32, #tpu.memory_space<hbm>>
      tpu.wait_dma2 semaphore(%run_scoped3A : memref<!tpu.dma_semaphore, #tpu.memory_space<semaphore_mem>>) src(%dma_wait3A_14 : memref<640x16xf32, #tpu.memory_space<hbm>>) dst(%dma_wait3A_12 : memref<640x16xf32, #tpu.memory_space<vmem_shared>>)
      tpu.yield
    }) : () -> ()
    "tpu.region"() ({
      %run_scoped3A = tpu.sem_alloc : memref<!tpu.dma_semaphore, #tpu.memory_space<semaphore_mem>>
      tpu.enqueue_dma source(%arg7 : memref<128x16xf32, #tpu.memory_space<hbm>>) target(%arg15 : memref<128x16xf32, #tpu.memory_space<vmem>>) target_semaphore(%run_scoped3A : memref<!tpu.dma_semaphore, #tpu.memory_space<semaphore_mem>>)
      tpu.wait_dma2 semaphore(%run_scoped3A : memref<!tpu.dma_semaphore, #tpu.memory_space<semaphore_mem>>) src(%arg7 : memref<128x16xf32, #tpu.memory_space<hbm>>) dst(%arg15 : memref<128x16xf32, #tpu.memory_space<vmem>>)
      tpu.yield
    }) : () -> ()
    %barrier3A = arith.constant 0 : index
    tpu.barrier barrier_id(%barrier3A)
    %scan3A = arith.constant 0 : i32
    %scan3A_3 = arith.constant 0 : i32
    %scan3A_4 = arith.constant 40 : i32
    %scan3A_5 = arith.addi %scan3A_3, %scan3A_4 : i32
    %scan3A_6 = arith.constant 1 : i32
    scf.for %scan3A_9 = %scan3A_3 to %scan3A_5 step %scan3A_6  : i32 {
      %mul3A_10 = arith.constant 40 : i32
      %mul3A_11 = arith.muli %add3A, %mul3A_10 : i32
      %add3A_12 = arith.addi %mul3A_11, %scan3A_9 : i32
      %mul3A_13 = arith.constant 128 : i32
      %mul3A_14 = arith.muli %add3A_12, %mul3A_13 : i32
      "tpu.region"() ({
        %run_scoped3A = tpu.sem_alloc : memref<!tpu.dma_semaphore, #tpu.memory_space<semaphore_mem>>
        %dma_start3A_19 = tpu.memref_slice %arg3[%mul3A_14] : memref<163840xi32, #tpu.memory_space<hbm>> -> memref<128xi32, #tpu.memory_space<hbm>>
        %dma_start3A_20 = tpu.memref_slice %arg3[%mul3A_14] : memref<163840xi32, #tpu.memory_space<hbm>> -> memref<128xi32, #tpu.memory_space<hbm>>
        tpu.enqueue_dma source(%dma_start3A_20 : memref<128xi32, #tpu.memory_space<hbm>>) target(%arg10 : memref<128xi32, #tpu.memory_space<vmem>>) target_semaphore(%run_scoped3A : memref<!tpu.dma_semaphore, #tpu.memory_space<semaphore_mem>>)
        %dma_wait3A_21 = tpu.memref_slice %arg3[%mul3A_14] : memref<163840xi32, #tpu.memory_space<hbm>> -> memref<128xi32, #tpu.memory_space<hbm>>
        %dma_wait3A_22 = tpu.memref_slice %arg3[%mul3A_14] : memref<163840xi32, #tpu.memory_space<hbm>> -> memref<128xi32, #tpu.memory_space<hbm>>
        tpu.wait_dma2 semaphore(%run_scoped3A : memref<!tpu.dma_semaphore, #tpu.memory_space<semaphore_mem>>) src(%dma_wait3A_22 : memref<128xi32, #tpu.memory_space<hbm>>) dst(%arg10 : memref<128xi32, #tpu.memory_space<vmem>>)
        tpu.yield
      }) : () -> ()
      "tpu.region"() ({
        %run_scoped3A = tpu.sem_alloc : memref<!tpu.dma_semaphore, #tpu.memory_space<semaphore_mem>>
        %dma_start3A_19 = tpu.memref_slice %arg4[%mul3A_14] : memref<163840xi32, #tpu.memory_space<hbm>> -> memref<128xi32, #tpu.memory_space<hbm>>
        %dma_start3A_20 = tpu.memref_slice %arg4[%mul3A_14] : memref<163840xi32, #tpu.memory_space<hbm>> -> memref<128xi32, #tpu.memory_space<hbm>>
        tpu.enqueue_dma source(%dma_start3A_20 : memref<128xi32, #tpu.memory_space<hbm>>) target(%arg11 : memref<128xi32, #tpu.memory_space<vmem>>) target_semaphore(%run_scoped3A : memref<!tpu.dma_semaphore, #tpu.memory_space<semaphore_mem>>)
        %dma_wait3A_21 = tpu.memref_slice %arg4[%mul3A_14] : memref<163840xi32, #tpu.memory_space<hbm>> -> memref<128xi32, #tpu.memory_space<hbm>>
        %dma_wait3A_22 = tpu.memref_slice %arg4[%mul3A_14] : memref<163840xi32, #tpu.memory_space<hbm>> -> memref<128xi32, #tpu.memory_space<hbm>>
        tpu.wait_dma2 semaphore(%run_scoped3A : memref<!tpu.dma_semaphore, #tpu.memory_space<semaphore_mem>>) src(%dma_wait3A_22 : memref<128xi32, #tpu.memory_space<hbm>>) dst(%arg11 : memref<128xi32, #tpu.memory_space<vmem>>)
        tpu.yield
      }) : () -> ()
      %dma_start3A = arith.constant 0 : i32
      %dma_start3A_15 = arith.constant 0 : i32
      %dma_start3A_16 = tpu.memref_slice %arg2[%dma_start3A, %dma_start3A_15] : memref<10240x16xf32, #tpu.memory_space<hbm>> -> memref<10240x16xf32, #tpu.memory_space<hbm>>
      tpu.enqueue_indirect_dma source(%dma_start3A_16 : memref<10240x16xf32, #tpu.memory_space<hbm>>) target(%arg12 : memref<128x16xf32, #tpu.memory_space<vmem>>) offsets(%arg10 : memref<128xi32, #tpu.memory_space<vmem>>) semaphore(%arg14 : memref<!tpu.dma_semaphore, #tpu.memory_space<semaphore_mem>>)
      %dma_wait3A = arith.constant 0 : i32
      %dma_wait3A_17 = arith.constant 0 : i32
      %dma_wait3A_18 = tpu.memref_slice %arg2[%dma_wait3A, %dma_wait3A_17] : memref<10240x16xf32, #tpu.memory_space<hbm>> -> memref<10240x16xf32, #tpu.memory_space<hbm>>
      tpu.wait_indirect_dma semaphore(%arg14 : memref<!tpu.dma_semaphore, #tpu.memory_space<semaphore_mem>>) src(%dma_wait3A_18 : memref<10240x16xf32, #tpu.memory_space<hbm>>) dst(%arg12 : memref<128x16xf32, #tpu.memory_space<vmem>>)
      "tpu.region"() ({
        %run_scoped3A = tpu.sem_alloc : memref<!tpu.dma_semaphore, #tpu.memory_space<semaphore_mem>>
        %dma_start3A_19 = arith.constant 0 : i32
        %dma_start3A_20 = arith.constant 0 : i32
        %dma_start3A_21 = tpu.memref_slice %arg13[%dma_start3A_19, %dma_start3A_20] : memref<10240x16xf32, #tpu.memory_space<vmem_shared>> -> memref<10240x16xf32, #tpu.memory_space<vmem_shared>>
        tpu.enqueue_indirect_dma source(%arg12 : memref<128x16xf32, #tpu.memory_space<vmem>>) target(%dma_start3A_21 : memref<10240x16xf32, #tpu.memory_space<vmem_shared>>) offsets(%arg11 : memref<128xi32, #tpu.memory_space<vmem>>) semaphore(%run_scoped3A : memref<!tpu.dma_semaphore, #tpu.memory_space<semaphore_mem>>) {add = true}
        %dma_wait3A_22 = arith.constant 0 : i32
        %dma_wait3A_23 = arith.constant 0 : i32
        %dma_wait3A_24 = tpu.memref_slice %arg13[%dma_wait3A_22, %dma_wait3A_23] : memref<10240x16xf32, #tpu.memory_space<vmem_shared>> -> memref<10240x16xf32, #tpu.memory_space<vmem_shared>>
        tpu.wait_indirect_dma semaphore(%run_scoped3A : memref<!tpu.dma_semaphore, #tpu.memory_space<semaphore_mem>>) src(%arg12 : memref<128x16xf32, #tpu.memory_space<vmem>>) dst(%dma_wait3A_24 : memref<10240x16xf32, #tpu.memory_space<vmem_shared>>)
        tpu.yield
      }) : () -> ()
      "tpu.region"() ({
        %run_scoped3A = tpu.sem_alloc : memref<!tpu.dma_semaphore, #tpu.memory_space<semaphore_mem>>
        %dma_start3A_19 = arith.constant 0 : i32
        %dma_start3A_20 = arith.constant 0 : i32
        %dma_start3A_21 = tpu.memref_slice %arg16[%dma_start3A_19, %dma_start3A_20] : memref<10240x16xf32, #tpu.memory_space<vmem_shared>> -> memref<10240x16xf32, #tpu.memory_space<vmem_shared>>
        tpu.enqueue_indirect_dma source(%arg15 : memref<128x16xf32, #tpu.memory_space<vmem>>) target(%dma_start3A_21 : memref<10240x16xf32, #tpu.memory_space<vmem_shared>>) offsets(%arg11 : memref<128xi32, #tpu.memory_space<vmem>>) semaphore(%run_scoped3A : memref<!tpu.dma_semaphore, #tpu.memory_space<semaphore_mem>>) {add = true}
        %dma_wait3A_22 = arith.constant 0 : i32
        %dma_wait3A_23 = arith.constant 0 : i32
        %dma_wait3A_24 = tpu.memref_slice %arg16[%dma_wait3A_22, %dma_wait3A_23] : memref<10240x16xf32, #tpu.memory_space<vmem_shared>> -> memref<10240x16xf32, #tpu.memory_space<vmem_shared>>
        tpu.wait_indirect_dma semaphore(%run_scoped3A : memref<!tpu.dma_semaphore, #tpu.memory_space<semaphore_mem>>) src(%arg15 : memref<128x16xf32, #tpu.memory_space<vmem>>) dst(%dma_wait3A_24 : memref<10240x16xf32, #tpu.memory_space<vmem_shared>>)
        tpu.yield
      }) : () -> ()
    }
    %scan3A_7 = arith.constant 40 : i32
    %barrier3A_8 = arith.constant 0 : index
    tpu.barrier barrier_id(%barrier3A_8)
    "tpu.region"() ({
      %run_scoped3A = tpu.sem_alloc : memref<!tpu.dma_semaphore, #tpu.memory_space<semaphore_mem>>
      %dma_start3A = arith.constant 0 : i32
      %dma_start3A_9 = tpu.memref_slice %arg8[%arg0, %mul3A_2, %dma_start3A] : memref<2x10240x16xf32, #tpu.memory_space<hbm>> -> memref<1x640x16xf32, #tpu.memory_space<hbm>>
      %dma_start3A_10 = tpu.memref_squeeze %dma_start3A_9 : memref<1x640x16xf32, #tpu.memory_space<hbm>> -> memref<640x16xf32, #tpu.memory_space<hbm>>
      %dma_start3A_11 = arith.constant 0 : i32
      %dma_start3A_12 = tpu.memref_slice %arg13[%mul3A_2, %dma_start3A_11] : memref<10240x16xf32, #tpu.memory_space<vmem_shared>> -> memref<640x16xf32, #tpu.memory_space<vmem_shared>>
      tpu.enqueue_dma source(%dma_start3A_12 : memref<640x16xf32, #tpu.memory_space<vmem_shared>>) target(%dma_start3A_10 : memref<640x16xf32, #tpu.memory_space<hbm>>) target_semaphore(%run_scoped3A : memref<!tpu.dma_semaphore, #tpu.memory_space<semaphore_mem>>)
      %dma_wait3A = arith.constant 0 : i32
      %dma_wait3A_13 = tpu.memref_slice %arg8[%arg0, %mul3A_2, %dma_wait3A] : memref<2x10240x16xf32, #tpu.memory_space<hbm>> -> memref<1x640x16xf32, #tpu.memory_space<hbm>>
      %dma_wait3A_14 = tpu.memref_squeeze %dma_wait3A_13 : memref<1x640x16xf32, #tpu.memory_space<hbm>> -> memref<640x16xf32, #tpu.memory_space<hbm>>
      %dma_wait3A_15 = arith.constant 0 : i32
      %dma_wait3A_16 = tpu.memref_slice %arg13[%mul3A_2, %dma_wait3A_15] : memref<10240x16xf32, #tpu.memory_space<vmem_shared>> -> memref<640x16xf32, #tpu.memory_space<vmem_shared>>
      tpu.wait_dma2 semaphore(%run_scoped3A : memref<!tpu.dma_semaphore, #tpu.memory_space<semaphore_mem>>) src(%dma_wait3A_16 : memref<640x16xf32, #tpu.memory_space<vmem_shared>>) dst(%dma_wait3A_14 : memref<640x16xf32, #tpu.memory_space<hbm>>)
      tpu.yield
    }) : () -> ()
    "tpu.region"() ({
      %run_scoped3A = tpu.sem_alloc : memref<!tpu.dma_semaphore, #tpu.memory_space<semaphore_mem>>
      %dma_start3A = arith.constant 0 : i32
      %dma_start3A_9 = tpu.memref_slice %arg9[%arg0, %mul3A_2, %dma_start3A] : memref<2x10240x16xf32, #tpu.memory_space<hbm>> -> memref<1x640x16xf32, #tpu.memory_space<hbm>>
      %dma_start3A_10 = tpu.memref_squeeze %dma_start3A_9 : memref<1x640x16xf32, #tpu.memory_space<hbm>> -> memref<640x16xf32, #tpu.memory_space<hbm>>
      %dma_start3A_11 = arith.constant 0 : i32
      %dma_start3A_12 = tpu.memref_slice %arg16[%mul3A_2, %dma_start3A_11] : memref<10240x16xf32, #tpu.memory_space<vmem_shared>> -> memref<640x16xf32, #tpu.memory_space<vmem_shared>>
      tpu.enqueue_dma source(%dma_start3A_12 : memref<640x16xf32, #tpu.memory_space<vmem_shared>>) target(%dma_start3A_10 : memref<640x16xf32, #tpu.memory_space<hbm>>) target_semaphore(%run_scoped3A : memref<!tpu.dma_semaphore, #tpu.memory_space<semaphore_mem>>)
      %dma_wait3A = arith.constant 0 : i32
      %dma_wait3A_13 = tpu.memref_slice %arg9[%arg0, %mul3A_2, %dma_wait3A] : memref<2x10240x16xf32, #tpu.memory_space<hbm>> -> memref<1x640x16xf32, #tpu.memory_space<hbm>>
      %dma_wait3A_14 = tpu.memref_squeeze %dma_wait3A_13 : memref<1x640x16xf32, #tpu.memory_space<hbm>> -> memref<640x16xf32, #tpu.memory_space<hbm>>
      %dma_wait3A_15 = arith.constant 0 : i32
      %dma_wait3A_16 = tpu.memref_slice %arg16[%mul3A_2, %dma_wait3A_15] : memref<10240x16xf32, #tpu.memory_space<vmem_shared>> -> memref<640x16xf32, #tpu.memory_space<vmem_shared>>
      tpu.wait_dma2 semaphore(%run_scoped3A : memref<!tpu.dma_semaphore, #tpu.memory_space<semaphore_mem>>) src(%dma_wait3A_16 : memref<640x16xf32, #tpu.memory_space<vmem_shared>>) dst(%dma_wait3A_14 : memref<640x16xf32, #tpu.memory_space<hbm>>)
      tpu.yield
    }) : () -> ()
    return
  }
}

#map = affine_map<(d0, d1) -> (0, 0)>
#map1 = affine_map<(d0, d1) -> (0)>
#map2 = affine_map<(d0, d1) -> (0, 0, 0)>
module attributes {stable_mosaic.version = 14 : i64} {
  func.func @body(%arg0: i32, %arg1: i32, %arg2: memref<10240x40xf32, #tpu.memory_space<hbm>>, %arg3: memref<163840xi32, #tpu.memory_space<hbm>>, %arg4: memref<163840xi32, #tpu.memory_space<hbm>>, %arg5: memref<10240x40xf32, #tpu.memory_space<hbm>>, %arg6: memref<2x10240x40xf32, #tpu.memory_space<hbm>>, %arg7: memref<128xi32, #tpu.memory_space<vmem>>, %arg8: memref<128xi32, #tpu.memory_space<vmem>>, %arg9: memref<128x40xf32, #tpu.memory_space<vmem>>, %arg10: memref<10240x40xf32, #tpu.memory_space<vmem_shared>>, %arg11: memref<!tpu.dma_semaphore, #tpu.memory_space<semaphore_mem>>) attributes {dimension_semantics = [#tpu.dimension_semantics<core_parallel>, #tpu.dimension_semantics<subcore_parallel>], iteration_bounds = array<i64: 2, 16>, scalar_prefetch = 0 : i64, scratch_operands = 5 : i64, tpu.core_type = #tpu.core_type<sc_vector_subcore>, window_params = [{transform_indices = #map}, {transform_indices = #map1}, {transform_indices = #map1}, {transform_indices = #map}, {transform_indices = #map2}]} {
    %mul3A = arith.constant 16 : i32
    %mul3A_0 = arith.muli %arg0, %mul3A : i32
    %add3A = arith.addi %mul3A_0, %arg1 : i32
    %mul3A_1 = arith.constant 640 : i32
    %mul3A_2 = arith.muli %arg1, %mul3A_1 : i32
    "tpu.region"() ({
      %run_scoped3A = tpu.sem_alloc : memref<!tpu.dma_semaphore, #tpu.memory_space<semaphore_mem>>
      %dma_start3A = arith.constant 0 : i32
      %dma_start3A_9 = tpu.memref_slice %arg10[%mul3A_2, %dma_start3A] : memref<10240x40xf32, #tpu.memory_space<vmem_shared>> -> memref<640x40xf32, #tpu.memory_space<vmem_shared>>
      %dma_start3A_10 = arith.constant 0 : i32
      %dma_start3A_11 = tpu.memref_slice %arg5[%mul3A_2, %dma_start3A_10] : memref<10240x40xf32, #tpu.memory_space<hbm>> -> memref<640x40xf32, #tpu.memory_space<hbm>>
      tpu.enqueue_dma source(%dma_start3A_11 : memref<640x40xf32, #tpu.memory_space<hbm>>) target(%dma_start3A_9 : memref<640x40xf32, #tpu.memory_space<vmem_shared>>) target_semaphore(%run_scoped3A : memref<!tpu.dma_semaphore, #tpu.memory_space<semaphore_mem>>)
      %dma_wait3A = arith.constant 0 : i32
      %dma_wait3A_12 = tpu.memref_slice %arg10[%mul3A_2, %dma_wait3A] : memref<10240x40xf32, #tpu.memory_space<vmem_shared>> -> memref<640x40xf32, #tpu.memory_space<vmem_shared>>
      %dma_wait3A_13 = arith.constant 0 : i32
      %dma_wait3A_14 = tpu.memref_slice %arg5[%mul3A_2, %dma_wait3A_13] : memref<10240x40xf32, #tpu.memory_space<hbm>> -> memref<640x40xf32, #tpu.memory_space<hbm>>
      tpu.wait_dma2 semaphore(%run_scoped3A : memref<!tpu.dma_semaphore, #tpu.memory_space<semaphore_mem>>) src(%dma_wait3A_14 : memref<640x40xf32, #tpu.memory_space<hbm>>) dst(%dma_wait3A_12 : memref<640x40xf32, #tpu.memory_space<vmem_shared>>)
      tpu.yield
    }) : () -> ()
    %barrier3A = arith.constant 0 : index
    tpu.barrier barrier_id(%barrier3A)
    %scan3A = arith.constant 0 : i32
    %scan3A_3 = arith.constant 0 : i32
    %scan3A_4 = arith.constant 40 : i32
    %scan3A_5 = arith.addi %scan3A_3, %scan3A_4 : i32
    %scan3A_6 = arith.constant 1 : i32
    scf.for %scan3A_9 = %scan3A_3 to %scan3A_5 step %scan3A_6  : i32 {
      %mul3A_10 = arith.constant 40 : i32
      %mul3A_11 = arith.muli %add3A, %mul3A_10 : i32
      %add3A_12 = arith.addi %mul3A_11, %scan3A_9 : i32
      %mul3A_13 = arith.constant 128 : i32
      %mul3A_14 = arith.muli %add3A_12, %mul3A_13 : i32
      "tpu.region"() ({
        %run_scoped3A = tpu.sem_alloc : memref<!tpu.dma_semaphore, #tpu.memory_space<semaphore_mem>>
        %dma_start3A_19 = tpu.memref_slice %arg3[%mul3A_14] : memref<163840xi32, #tpu.memory_space<hbm>> -> memref<128xi32, #tpu.memory_space<hbm>>
        %dma_start3A_20 = tpu.memref_slice %arg3[%mul3A_14] : memref<163840xi32, #tpu.memory_space<hbm>> -> memref<128xi32, #tpu.memory_space<hbm>>
        tpu.enqueue_dma source(%dma_start3A_20 : memref<128xi32, #tpu.memory_space<hbm>>) target(%arg7 : memref<128xi32, #tpu.memory_space<vmem>>) target_semaphore(%run_scoped3A : memref<!tpu.dma_semaphore, #tpu.memory_space<semaphore_mem>>)
        %dma_wait3A_21 = tpu.memref_slice %arg3[%mul3A_14] : memref<163840xi32, #tpu.memory_space<hbm>> -> memref<128xi32, #tpu.memory_space<hbm>>
        %dma_wait3A_22 = tpu.memref_slice %arg3[%mul3A_14] : memref<163840xi32, #tpu.memory_space<hbm>> -> memref<128xi32, #tpu.memory_space<hbm>>
        tpu.wait_dma2 semaphore(%run_scoped3A : memref<!tpu.dma_semaphore, #tpu.memory_space<semaphore_mem>>) src(%dma_wait3A_22 : memref<128xi32, #tpu.memory_space<hbm>>) dst(%arg7 : memref<128xi32, #tpu.memory_space<vmem>>)
        tpu.yield
      }) : () -> ()
      "tpu.region"() ({
        %run_scoped3A = tpu.sem_alloc : memref<!tpu.dma_semaphore, #tpu.memory_space<semaphore_mem>>
        %dma_start3A_19 = tpu.memref_slice %arg4[%mul3A_14] : memref<163840xi32, #tpu.memory_space<hbm>> -> memref<128xi32, #tpu.memory_space<hbm>>
        %dma_start3A_20 = tpu.memref_slice %arg4[%mul3A_14] : memref<163840xi32, #tpu.memory_space<hbm>> -> memref<128xi32, #tpu.memory_space<hbm>>
        tpu.enqueue_dma source(%dma_start3A_20 : memref<128xi32, #tpu.memory_space<hbm>>) target(%arg8 : memref<128xi32, #tpu.memory_space<vmem>>) target_semaphore(%run_scoped3A : memref<!tpu.dma_semaphore, #tpu.memory_space<semaphore_mem>>)
        %dma_wait3A_21 = tpu.memref_slice %arg4[%mul3A_14] : memref<163840xi32, #tpu.memory_space<hbm>> -> memref<128xi32, #tpu.memory_space<hbm>>
        %dma_wait3A_22 = tpu.memref_slice %arg4[%mul3A_14] : memref<163840xi32, #tpu.memory_space<hbm>> -> memref<128xi32, #tpu.memory_space<hbm>>
        tpu.wait_dma2 semaphore(%run_scoped3A : memref<!tpu.dma_semaphore, #tpu.memory_space<semaphore_mem>>) src(%dma_wait3A_22 : memref<128xi32, #tpu.memory_space<hbm>>) dst(%arg8 : memref<128xi32, #tpu.memory_space<vmem>>)
        tpu.yield
      }) : () -> ()
      %dma_start3A = arith.constant 0 : i32
      %dma_start3A_15 = arith.constant 0 : i32
      %dma_start3A_16 = tpu.memref_slice %arg2[%dma_start3A, %dma_start3A_15] : memref<10240x40xf32, #tpu.memory_space<hbm>> -> memref<10240x40xf32, #tpu.memory_space<hbm>>
      tpu.enqueue_indirect_dma source(%dma_start3A_16 : memref<10240x40xf32, #tpu.memory_space<hbm>>) target(%arg9 : memref<128x40xf32, #tpu.memory_space<vmem>>) offsets(%arg7 : memref<128xi32, #tpu.memory_space<vmem>>) semaphore(%arg11 : memref<!tpu.dma_semaphore, #tpu.memory_space<semaphore_mem>>)
      %dma_wait3A = arith.constant 0 : i32
      %dma_wait3A_17 = arith.constant 0 : i32
      %dma_wait3A_18 = tpu.memref_slice %arg2[%dma_wait3A, %dma_wait3A_17] : memref<10240x40xf32, #tpu.memory_space<hbm>> -> memref<10240x40xf32, #tpu.memory_space<hbm>>
      tpu.wait_indirect_dma semaphore(%arg11 : memref<!tpu.dma_semaphore, #tpu.memory_space<semaphore_mem>>) src(%dma_wait3A_18 : memref<10240x40xf32, #tpu.memory_space<hbm>>) dst(%arg9 : memref<128x40xf32, #tpu.memory_space<vmem>>)
      "tpu.region"() ({
        %run_scoped3A = tpu.sem_alloc : memref<!tpu.dma_semaphore, #tpu.memory_space<semaphore_mem>>
        %dma_start3A_19 = arith.constant 0 : i32
        %dma_start3A_20 = arith.constant 0 : i32
        %dma_start3A_21 = tpu.memref_slice %arg10[%dma_start3A_19, %dma_start3A_20] : memref<10240x40xf32, #tpu.memory_space<vmem_shared>> -> memref<10240x40xf32, #tpu.memory_space<vmem_shared>>
        tpu.enqueue_indirect_dma source(%arg9 : memref<128x40xf32, #tpu.memory_space<vmem>>) target(%dma_start3A_21 : memref<10240x40xf32, #tpu.memory_space<vmem_shared>>) offsets(%arg8 : memref<128xi32, #tpu.memory_space<vmem>>) semaphore(%run_scoped3A : memref<!tpu.dma_semaphore, #tpu.memory_space<semaphore_mem>>) {add = true}
        %dma_wait3A_22 = arith.constant 0 : i32
        %dma_wait3A_23 = arith.constant 0 : i32
        %dma_wait3A_24 = tpu.memref_slice %arg10[%dma_wait3A_22, %dma_wait3A_23] : memref<10240x40xf32, #tpu.memory_space<vmem_shared>> -> memref<10240x40xf32, #tpu.memory_space<vmem_shared>>
        tpu.wait_indirect_dma semaphore(%run_scoped3A : memref<!tpu.dma_semaphore, #tpu.memory_space<semaphore_mem>>) src(%arg9 : memref<128x40xf32, #tpu.memory_space<vmem>>) dst(%dma_wait3A_24 : memref<10240x40xf32, #tpu.memory_space<vmem_shared>>)
        tpu.yield
      }) : () -> ()
    }
    %scan3A_7 = arith.constant 40 : i32
    %barrier3A_8 = arith.constant 0 : index
    tpu.barrier barrier_id(%barrier3A_8)
    "tpu.region"() ({
      %run_scoped3A = tpu.sem_alloc : memref<!tpu.dma_semaphore, #tpu.memory_space<semaphore_mem>>
      %dma_start3A = arith.constant 0 : i32
      %dma_start3A_9 = tpu.memref_slice %arg6[%arg0, %mul3A_2, %dma_start3A] : memref<2x10240x40xf32, #tpu.memory_space<hbm>> -> memref<1x640x40xf32, #tpu.memory_space<hbm>>
      %dma_start3A_10 = tpu.memref_squeeze %dma_start3A_9 : memref<1x640x40xf32, #tpu.memory_space<hbm>> -> memref<640x40xf32, #tpu.memory_space<hbm>>
      %dma_start3A_11 = arith.constant 0 : i32
      %dma_start3A_12 = tpu.memref_slice %arg10[%mul3A_2, %dma_start3A_11] : memref<10240x40xf32, #tpu.memory_space<vmem_shared>> -> memref<640x40xf32, #tpu.memory_space<vmem_shared>>
      tpu.enqueue_dma source(%dma_start3A_12 : memref<640x40xf32, #tpu.memory_space<vmem_shared>>) target(%dma_start3A_10 : memref<640x40xf32, #tpu.memory_space<hbm>>) target_semaphore(%run_scoped3A : memref<!tpu.dma_semaphore, #tpu.memory_space<semaphore_mem>>)
      %dma_wait3A = arith.constant 0 : i32
      %dma_wait3A_13 = tpu.memref_slice %arg6[%arg0, %mul3A_2, %dma_wait3A] : memref<2x10240x40xf32, #tpu.memory_space<hbm>> -> memref<1x640x40xf32, #tpu.memory_space<hbm>>
      %dma_wait3A_14 = tpu.memref_squeeze %dma_wait3A_13 : memref<1x640x40xf32, #tpu.memory_space<hbm>> -> memref<640x40xf32, #tpu.memory_space<hbm>>
      %dma_wait3A_15 = arith.constant 0 : i32
      %dma_wait3A_16 = tpu.memref_slice %arg10[%mul3A_2, %dma_wait3A_15] : memref<10240x40xf32, #tpu.memory_space<vmem_shared>> -> memref<640x40xf32, #tpu.memory_space<vmem_shared>>
      tpu.wait_dma2 semaphore(%run_scoped3A : memref<!tpu.dma_semaphore, #tpu.memory_space<semaphore_mem>>) src(%dma_wait3A_16 : memref<640x40xf32, #tpu.memory_space<vmem_shared>>) dst(%dma_wait3A_14 : memref<640x40xf32, #tpu.memory_space<hbm>>)
      tpu.yield
    }) : () -> ()
    return
  }
}

module attributes {stable_mosaic.version = 14 : i64} {
  func.func @_proj1_body(%arg0: i32, %arg1: memref<2048x256xf32, #tpu.memory_space<vmem>>, %arg2: memref<256x16xf32, #tpu.memory_space<vmem>>, %arg3: memref<256x16xf32, #tpu.memory_space<vmem>>, %arg4: memref<2048x16xf32, #tpu.memory_space<vmem>>, %arg5: memref<2048x16xf32, #tpu.memory_space<vmem>>) attributes {dimension_semantics = [#tpu.dimension_semantics<arbitrary>], iteration_bounds = array<i64: 5>, scalar_prefetch = 0 : i64, scratch_operands = 0 : i64, tpu.core_type = #tpu.core_type<tc>, window_params = [{transform_indices = @transform_0, window_bounds = array<i64: 2048, 256>}, {pipeline_mode = #tpu.pipeline_mode<synchronous>, transform_indices = @transform_1, window_bounds = array<i64: 256, 16>}, {pipeline_mode = #tpu.pipeline_mode<synchronous>, transform_indices = @transform_2, window_bounds = array<i64: 256, 16>}, {transform_indices = @transform_3, window_bounds = array<i64: 2048, 16>}, {transform_indices = @transform_4, window_bounds = array<i64: 2048, 16>}]} {
    %get3A = arith.constant 0 : index
    %get3A_0 = arith.constant 0 : index
    %get3A_1 = vector.load %arg1[%get3A, %get3A_0] : memref<2048x256xf32, #tpu.memory_space<vmem>>, vector<2048x256xf32>
    %get3A_2 = arith.constant 0 : index
    %get3A_3 = arith.constant 0 : index
    %get3A_4 = vector.load %arg2[%get3A_2, %get3A_3] : memref<256x16xf32, #tpu.memory_space<vmem>>, vector<256x16xf32>
    %dot_general3A = arith.constant dense<0.000000e+00> : vector<2048x16xf32>
    %dot_general3A_5 = tpu.matmul %get3A_1, %get3A_4, %dot_general3A {dimension_numbers = #tpu.dot_dimension_numbers<[1], [0], [0], [1], [0, 0, 1, 1], [], []>, transpose_lhs_hint = false} : vector<2048x256xf32>, vector<256x16xf32>, vector<2048x16xf32> -> vector<2048x16xf32>
    %swap3A = arith.constant 0 : index
    %swap3A_6 = arith.constant 0 : index
    %swap3A_7 = vector.load %arg4[%swap3A, %swap3A_6] : memref<2048x16xf32, #tpu.memory_space<vmem>>, vector<2048x16xf32>
    tpu.vector_store %arg4[%swap3A, %swap3A_6], %dot_general3A_5 {strides = array<i32>} : memref<2048x16xf32, #tpu.memory_space<vmem>>, vector<2048x16xf32>,
    %get3A_8 = arith.constant 0 : index
    %get3A_9 = arith.constant 0 : index
    %get3A_10 = vector.load %arg3[%get3A_8, %get3A_9] : memref<256x16xf32, #tpu.memory_space<vmem>>, vector<256x16xf32>
    %dot_general3A_11 = arith.constant dense<0.000000e+00> : vector<2048x16xf32>
    %dot_general3A_12 = tpu.matmul %get3A_1, %get3A_10, %dot_general3A_11 {dimension_numbers = #tpu.dot_dimension_numbers<[1], [0], [0], [1], [0, 0, 1, 1], [], []>, transpose_lhs_hint = false} : vector<2048x256xf32>, vector<256x16xf32>, vector<2048x16xf32> -> vector<2048x16xf32>
    %swap3A_13 = arith.constant 0 : index
    %swap3A_14 = arith.constant 0 : index
    %swap3A_15 = vector.load %arg5[%swap3A_13, %swap3A_14] : memref<2048x16xf32, #tpu.memory_space<vmem>>, vector<2048x16xf32>
    tpu.vector_store %arg5[%swap3A_13, %swap3A_14], %dot_general3A_12 {strides = array<i32>} : memref<2048x16xf32, #tpu.memory_space<vmem>>, vector<2048x16xf32>,
    return
  }
  func.func @transform_0(%arg0: i32) -> (i32, i32) {
    %c0_i32 = arith.constant 0 : i32
    %c0_i32_0 = arith.constant 0 : i32
    return %arg0, %c0_i32 : i32, i32
  }
  func.func @transform_1(%arg0: i32) -> (i32, i32) {
    %c0_i32 = arith.constant 0 : i32
    %c0_i32_0 = arith.constant 0 : i32
    %c0_i32_1 = arith.constant 0 : i32
    return %c0_i32, %c0_i32_0 : i32, i32
  }
  func.func @transform_2(%arg0: i32) -> (i32, i32) {
    %c0_i32 = arith.constant 0 : i32
    %c0_i32_0 = arith.constant 0 : i32
    %c0_i32_1 = arith.constant 0 : i32
    return %c0_i32, %c0_i32_0 : i32, i32
  }
  func.func @transform_3(%arg0: i32) -> (i32, i32) {
    %c0_i32 = arith.constant 0 : i32
    %c0_i32_0 = arith.constant 0 : i32
    return %arg0, %c0_i32 : i32, i32
  }
  func.func @transform_4(%arg0: i32) -> (i32, i32) {
    %c0_i32 = arith.constant 0 : i32
    %c0_i32_0 = arith.constant 0 : i32
    return %arg0, %c0_i32 : i32, i32
  }
}

module attributes {stable_mosaic.version = 14 : i64} {
  func.func @_mid_body(%arg0: i32, %arg1: memref<2048x16xf32, #tpu.memory_space<vmem>>, %arg2: memref<2048x16xf32, #tpu.memory_space<vmem>>, %arg3: memref<2048x16xf32, #tpu.memory_space<vmem>>, %arg4: memref<2048x16xf32, #tpu.memory_space<vmem>>, %arg5: memref<2048x16xf32, #tpu.memory_space<vmem>>, %arg6: memref<1x16xf32, #tpu.memory_space<vmem>>, %arg7: memref<16x40xf32, #tpu.memory_space<vmem>>, %arg8: memref<16x40xf32, #tpu.memory_space<vmem>>, %arg9: memref<2048x40xf32, #tpu.memory_space<vmem>>, %arg10: memref<2048x40xf32, #tpu.memory_space<vmem>>, %arg11: memref<2048x1xf32, #tpu.memory_space<vmem>>) attributes {dimension_semantics = [#tpu.dimension_semantics<arbitrary>], iteration_bounds = array<i64: 5>, scalar_prefetch = 0 : i64, scratch_operands = 0 : i64, tpu.core_type = #tpu.core_type<tc>, window_params = [{transform_indices = @transform_0, window_bounds = array<i64: 2048, 16>}, {transform_indices = @transform_1, window_bounds = array<i64: 2048, 16>}, {transform_indices = @transform_2, window_bounds = array<i64: 2048, 16>}, {transform_indices = @transform_3, window_bounds = array<i64: 2048, 16>}, {transform_indices = @transform_4, window_bounds = array<i64: 2048, 16>}, {pipeline_mode = #tpu.pipeline_mode<synchronous>, transform_indices = @transform_5, window_bounds = array<i64: 1, 16>}, {pipeline_mode = #tpu.pipeline_mode<synchronous>, transform_indices = @transform_6, window_bounds = array<i64: 16, 40>}, {pipeline_mode = #tpu.pipeline_mode<synchronous>, transform_indices = @transform_7, window_bounds = array<i64: 16, 40>}, {transform_indices = @transform_8, window_bounds = array<i64: 2048, 40>}, {transform_indices = @transform_9, window_bounds = array<i64: 2048, 40>}, {transform_indices = @transform_10, window_bounds = array<i64: 2048, 1>}]} {
    %get3A = arith.constant 0 : index
    %get3A_0 = arith.constant 0 : index
    %get3A_1 = vector.load %arg3[%get3A, %get3A_0] : memref<2048x16xf32, #tpu.memory_space<vmem>>, vector<2048x1xf32>
    %get3A_2 = arith.constant 0 : index
    %get3A_3 = arith.constant 0 : index
    %get3A_4 = vector.load %arg4[%get3A_2, %get3A_3] : memref<2048x16xf32, #tpu.memory_space<vmem>>, vector<2048x1xf32>
    %add3A = arith.addf %get3A_1, %get3A_4 : vector<2048x1xf32>
    %max3A = arith.constant 1.000000e+00 : f32
    %max3A_5 = vector.broadcast %max3A : f32 to vector<2048x1xf32>
    %max3A_6 = arith.maximumf %add3A, %max3A_5 : vector<2048x1xf32>
    %div3A = arith.constant 1.000000e+00 : f32
    %div3A_7 = vector.broadcast %div3A : f32 to vector<2048x1xf32>
    %div3A_8 = arith.divf %div3A_7, %max3A_6 : vector<2048x1xf32>
    %get3A_9 = arith.constant 0 : index
    %get3A_10 = arith.constant 0 : index
    %get3A_11 = vector.load %arg1[%get3A_9, %get3A_10] : memref<2048x16xf32, #tpu.memory_space<vmem>>, vector<2048x16xf32>
    %get3A_12 = arith.constant 0 : index
    %get3A_13 = arith.constant 0 : index
    %get3A_14 = vector.load %arg2[%get3A_12, %get3A_13] : memref<2048x16xf32, #tpu.memory_space<vmem>>, vector<2048x16xf32>
    %add3A_15 = arith.addf %get3A_11, %get3A_14 : vector<2048x16xf32>
    %mul3A = vector.broadcast %div3A_8 : vector<2048x1xf32> to vector<2048x16xf32>
    %mul3A_16 = arith.mulf %add3A_15, %mul3A : vector<2048x16xf32>
    %get3A_17 = arith.constant 0 : index
    %get3A_18 = arith.constant 0 : index
    %get3A_19 = vector.load %arg6[%get3A_17, %get3A_18] : memref<1x16xf32, #tpu.memory_space<vmem>>, vector<1x16xf32>
    %add3A_20 = vector.broadcast %get3A_19 : vector<1x16xf32> to vector<2048x16xf32>
    %add3A_21 = arith.addf %mul3A_16, %add3A_20 : vector<2048x16xf32>
    %get3A_22 = arith.constant 0 : index
    %get3A_23 = arith.constant 0 : index
    %get3A_24 = vector.load %arg5[%get3A_22, %get3A_23] : memref<2048x16xf32, #tpu.memory_space<vmem>>, vector<2048x16xf32>
    %add3A_25 = arith.addf %add3A_21, %get3A_24 : vector<2048x16xf32>
    %max3A_26 = arith.constant 0.000000e+00 : f32
    %max3A_27 = vector.broadcast %max3A_26 : f32 to vector<2048x16xf32>
    %max3A_28 = arith.maximumf %add3A_25, %max3A_27 : vector<2048x16xf32>
    %get3A_29 = arith.constant 0 : index
    %get3A_30 = arith.constant 0 : index
    %get3A_31 = vector.load %arg7[%get3A_29, %get3A_30] : memref<16x40xf32, #tpu.memory_space<vmem>>, vector<16x40xf32>
    %dot_general3A = arith.constant dense<0.000000e+00> : vector<2048x40xf32>
    %dot_general3A_32 = tpu.matmul %max3A_28, %get3A_31, %dot_general3A {dimension_numbers = #tpu.dot_dimension_numbers<[1], [0], [0], [1], [0, 0, 1, 1], [], []>, transpose_lhs_hint = false} : vector<2048x16xf32>, vector<16x40xf32>, vector<2048x40xf32> -> vector<2048x40xf32>
    %swap3A = arith.constant 0 : index
    %swap3A_33 = arith.constant 0 : index
    %swap3A_34 = vector.load %arg9[%swap3A, %swap3A_33] : memref<2048x40xf32, #tpu.memory_space<vmem>>, vector<2048x40xf32>
    tpu.vector_store %arg9[%swap3A, %swap3A_33], %dot_general3A_32 {strides = array<i32>} : memref<2048x40xf32, #tpu.memory_space<vmem>>, vector<2048x40xf32>,
    %get3A_35 = arith.constant 0 : index
    %get3A_36 = arith.constant 0 : index
    %get3A_37 = vector.load %arg8[%get3A_35, %get3A_36] : memref<16x40xf32, #tpu.memory_space<vmem>>, vector<16x40xf32>
    %dot_general3A_38 = arith.constant dense<0.000000e+00> : vector<2048x40xf32>
    %dot_general3A_39 = tpu.matmul %max3A_28, %get3A_37, %dot_general3A_38 {dimension_numbers = #tpu.dot_dimension_numbers<[1], [0], [0], [1], [0, 0, 1, 1], [], []>, transpose_lhs_hint = false} : vector<2048x16xf32>, vector<16x40xf32>, vector<2048x40xf32> -> vector<2048x40xf32>
    %swap3A_40 = arith.constant 0 : index
    %swap3A_41 = arith.constant 0 : index
    %swap3A_42 = vector.load %arg10[%swap3A_40, %swap3A_41] : memref<2048x40xf32, #tpu.memory_space<vmem>>, vector<2048x40xf32>
    tpu.vector_store %arg10[%swap3A_40, %swap3A_41], %dot_general3A_39 {strides = array<i32>} : memref<2048x40xf32, #tpu.memory_space<vmem>>, vector<2048x40xf32>,
    %swap3A_43 = arith.constant 0 : index
    %swap3A_44 = arith.constant 0 : index
    %swap3A_45 = vector.load %arg11[%swap3A_43, %swap3A_44] : memref<2048x1xf32, #tpu.memory_space<vmem>>, vector<2048x1xf32>
    tpu.vector_store %arg11[%swap3A_43, %swap3A_44], %div3A_8 {strides = array<i32>} : memref<2048x1xf32, #tpu.memory_space<vmem>>, vector<2048x1xf32>,
    return
  }
  func.func @transform_0(%arg0: i32) -> (i32, i32) {
    %c0_i32 = arith.constant 0 : i32
    %c0_i32_0 = arith.constant 0 : i32
    return %arg0, %c0_i32 : i32, i32
  }
  func.func @transform_1(%arg0: i32) -> (i32, i32) {
    %c0_i32 = arith.constant 0 : i32
    %c0_i32_0 = arith.constant 0 : i32
    return %arg0, %c0_i32 : i32, i32
  }
  func.func @transform_2(%arg0: i32) -> (i32, i32) {
    %c0_i32 = arith.constant 0 : i32
    %c0_i32_0 = arith.constant 0 : i32
    return %arg0, %c0_i32 : i32, i32
  }
  func.func @transform_3(%arg0: i32) -> (i32, i32) {
    %c0_i32 = arith.constant 0 : i32
    %c0_i32_0 = arith.constant 0 : i32
    return %arg0, %c0_i32 : i32, i32
  }
  func.func @transform_4(%arg0: i32) -> (i32, i32) {
    %c0_i32 = arith.constant 0 : i32
    %c0_i32_0 = arith.constant 0 : i32
    return %arg0, %c0_i32 : i32, i32
  }
  func.func @transform_5(%arg0: i32) -> (i32, i32) {
    %c0_i32 = arith.constant 0 : i32
    %c0_i32_0 = arith.constant 0 : i32
    %c0_i32_1 = arith.constant 0 : i32
    return %c0_i32, %c0_i32_0 : i32, i32
  }
  func.func @transform_6(%arg0: i32) -> (i32, i32) {
    %c0_i32 = arith.constant 0 : i32
    %c0_i32_0 = arith.constant 0 : i32
    %c0_i32_1 = arith.constant 0 : i32
    return %c0_i32, %c0_i32_0 : i32, i32
  }
  func.func @transform_7(%arg0: i32) -> (i32, i32) {
    %c0_i32 = arith.constant 0 : i32
    %c0_i32_0 = arith.constant 0 : i32
    %c0_i32_1 = arith.constant 0 : i32
    return %c0_i32, %c0_i32_0 : i32, i32
  }
  func.func @transform_8(%arg0: i32) -> (i32, i32) {
    %c0_i32 = arith.constant 0 : i32
    %c0_i32_0 = arith.constant 0 : i32
    return %arg0, %c0_i32 : i32, i32
  }
  func.func @transform_9(%arg0: i32) -> (i32, i32) {
    %c0_i32 = arith.constant 0 : i32
    %c0_i32_0 = arith.constant 0 : i32
    return %arg0, %c0_i32 : i32, i32
  }
  func.func @transform_10(%arg0: i32) -> (i32, i32) {
    %c0_i32 = arith.constant 0 : i32
    %c0_i32_0 = arith.constant 0 : i32
    return %arg0, %c0_i32 : i32, i32
  }
}

module attributes {stable_mosaic.version = 14 : i64} {
  func.func @_out_body(%arg0: i32, %arg1: memref<2048x40xf32, #tpu.memory_space<vmem>>, %arg2: memref<2048x40xf32, #tpu.memory_space<vmem>>, %arg3: memref<2048x1xf32, #tpu.memory_space<vmem>>, %arg4: memref<2048x40xf32, #tpu.memory_space<vmem>>, %arg5: memref<1x40xf32, #tpu.memory_space<vmem>>, %arg6: memref<2048x40xf32, #tpu.memory_space<vmem>>) attributes {dimension_semantics = [#tpu.dimension_semantics<arbitrary>], iteration_bounds = array<i64: 5>, scalar_prefetch = 0 : i64, scratch_operands = 0 : i64, tpu.core_type = #tpu.core_type<tc>, window_params = [{transform_indices = @transform_0, window_bounds = array<i64: 2048, 40>}, {transform_indices = @transform_1, window_bounds = array<i64: 2048, 40>}, {transform_indices = @transform_2, window_bounds = array<i64: 2048, 1>}, {transform_indices = @transform_3, window_bounds = array<i64: 2048, 40>}, {pipeline_mode = #tpu.pipeline_mode<synchronous>, transform_indices = @transform_4, window_bounds = array<i64: 1, 40>}, {transform_indices = @transform_5, window_bounds = array<i64: 2048, 40>}]} {
    %get3A = arith.constant 0 : index
    %get3A_0 = arith.constant 0 : index
    %get3A_1 = vector.load %arg1[%get3A, %get3A_0] : memref<2048x40xf32, #tpu.memory_space<vmem>>, vector<2048x40xf32>
    %get3A_2 = arith.constant 0 : index
    %get3A_3 = arith.constant 0 : index
    %get3A_4 = vector.load %arg2[%get3A_2, %get3A_3] : memref<2048x40xf32, #tpu.memory_space<vmem>>, vector<2048x40xf32>
    %add3A = arith.addf %get3A_1, %get3A_4 : vector<2048x40xf32>
    %get3A_5 = arith.constant 0 : index
    %get3A_6 = arith.constant 0 : index
    %get3A_7 = vector.load %arg3[%get3A_5, %get3A_6] : memref<2048x1xf32, #tpu.memory_space<vmem>>, vector<2048x1xf32>
    %mul3A = vector.broadcast %get3A_7 : vector<2048x1xf32> to vector<2048x40xf32>
    %mul3A_8 = arith.mulf %add3A, %mul3A : vector<2048x40xf32>
    %get3A_9 = arith.constant 0 : index
    %get3A_10 = arith.constant 0 : index
    %get3A_11 = vector.load %arg5[%get3A_9, %get3A_10] : memref<1x40xf32, #tpu.memory_space<vmem>>, vector<1x40xf32>
    %add3A_12 = vector.broadcast %get3A_11 : vector<1x40xf32> to vector<2048x40xf32>
    %add3A_13 = arith.addf %mul3A_8, %add3A_12 : vector<2048x40xf32>
    %get3A_14 = arith.constant 0 : index
    %get3A_15 = arith.constant 0 : index
    %get3A_16 = vector.load %arg4[%get3A_14, %get3A_15] : memref<2048x40xf32, #tpu.memory_space<vmem>>, vector<2048x40xf32>
    %add3A_17 = arith.addf %add3A_13, %get3A_16 : vector<2048x40xf32>
    %reduce_max3A = arith.constant dense<0xFF800000> : vector<2048xf32>
    %reduce_max3A_18 = vector.multi_reduction <maximumf>, %add3A_17, %reduce_max3A [1] : vector<2048x40xf32> to vector<2048xf32>
    %broadcast_in_dim3A = vector.shape_cast %reduce_max3A_18 : vector<2048xf32> to vector<2048x1xf32>
    %sub3A = vector.broadcast %broadcast_in_dim3A : vector<2048x1xf32> to vector<2048x40xf32>
    %sub3A_19 = arith.subf %add3A_17, %sub3A : vector<2048x40xf32>
    %exp3A = math.exp %sub3A_19 : vector<2048x40xf32>
    %reduce_sum3A = arith.constant dense<0.000000e+00> : vector<2048xf32>
    %reduce_sum3A_20 = vector.multi_reduction <add>, %exp3A, %reduce_sum3A [1] : vector<2048x40xf32> to vector<2048xf32>
    %broadcast_in_dim3A_21 = vector.shape_cast %reduce_sum3A_20 : vector<2048xf32> to vector<2048x1xf32>
    %sub3A_22 = vector.broadcast %broadcast_in_dim3A : vector<2048x1xf32> to vector<2048x40xf32>
    %sub3A_23 = arith.subf %add3A_17, %sub3A_22 : vector<2048x40xf32>
    %log3A = math.log %broadcast_in_dim3A_21 : vector<2048x1xf32>
    %sub3A_24 = vector.broadcast %log3A : vector<2048x1xf32> to vector<2048x40xf32>
    %sub3A_25 = arith.subf %sub3A_23, %sub3A_24 : vector<2048x40xf32>
    %swap3A = arith.constant 0 : index
    %swap3A_26 = arith.constant 0 : index
    %swap3A_27 = vector.load %arg6[%swap3A, %swap3A_26] : memref<2048x40xf32, #tpu.memory_space<vmem>>, vector<2048x40xf32>
    tpu.vector_store %arg6[%swap3A, %swap3A_26], %sub3A_25 {strides = array<i32>} : memref<2048x40xf32, #tpu.memory_space<vmem>>, vector<2048x40xf32>,
    return
  }
  func.func @transform_0(%arg0: i32) -> (i32, i32) {
    %c0_i32 = arith.constant 0 : i32
    %c0_i32_0 = arith.constant 0 : i32
    return %arg0, %c0_i32 : i32, i32
  }
  func.func @transform_1(%arg0: i32) -> (i32, i32) {
    %c0_i32 = arith.constant 0 : i32
    %c0_i32_0 = arith.constant 0 : i32
    return %arg0, %c0_i32 : i32, i32
  }
  func.func @transform_2(%arg0: i32) -> (i32, i32) {
    %c0_i32 = arith.constant 0 : i32
    %c0_i32_0 = arith.constant 0 : i32
    return %arg0, %c0_i32 : i32, i32
  }
  func.func @transform_3(%arg0: i32) -> (i32, i32) {
    %c0_i32 = arith.constant 0 : i32
    %c0_i32_0 = arith.constant 0 : i32
    return %arg0, %c0_i32 : i32, i32
  }
  func.func @transform_4(%arg0: i32) -> (i32, i32) {
    %c0_i32 = arith.constant 0 : i32
    %c0_i32_0 = arith.constant 0 : i32
    %c0_i32_1 = arith.constant 0 : i32
    return %c0_i32, %c0_i32_0 : i32, i32
  }
  func.func @transform_5(%arg0: i32) -> (i32, i32) {
    %c0_i32 = arith.constant 0 : i32
    %c0_i32_0 = arith.constant 0 : i32
    return %arg0, %c0_i32 : i32, i32
  }
}

</mosaic_0001>

<sc_bundles>
// kernel: kernel.10.cloned.1.call-start
scs
__scs_entry_jumppad:
0x0: {  	(pc) =	sbr.rel $0x88, $3  }
0x1: {  	(tag) =	ssettag $0x0;
	lr =	simm.s32 $0x1  }
0x2: {  	[smem:$0x3F99] =	sst lr;
	_ =	strace $0xD0000000  }
0x3: {  	_ = 	snop  }
0x4: {  	_ = 	snop  }
0x5: {  	_ = 	snop  }
0x6: {  	_ = 	snop  }
0x7: {  	_ = 	snop  }
__scs_overlays_trampoline_lowered:
0x8: {  	[smem:$0x3FA8] =	sst s0  }
0x9: {  	[smem:$0x3FA9] =	sst s1  }
0xa: {  	[smem:$0x3FAA] =	sst s2  }
0xb: {  	[smem:$0x3FAB] =	sst s3  }
0xc: {  	[smem:$0x3FAC] =	sst s4  }
0xd: {  	[smem:$0x3FAD] =	sst s5  }
0xe: {  	[smem:$0x3FAE] =	sst s6  }
0xf: {  	[smem:$0x3FAF] =	sst s7  }
0x10: {  	[smem:$0x3FB0] =	sst s8  }
0x11: {  	[smem:$0x3FB1] =	sst s9;
	s0 =	simm.s32 @!p0 $0x0  }
0x12: {  	s1 =	sld [smem:$0x3F97];
	s0 =	simm.s32 @p0 $0x1  }
0x13: {  	[smem:$0x3FB2] =	sst s0;
	s0 =	simm.s32 @!p1 $0x0  }
0x14: {  	s2 =	sld [smem:$0x3F96];
	s0 =	simm.s32 @p1 $0x1  }
0x15: {  	[smem:$0x3FB3] =	sst s0;
	s0 =	simm.s32 @!p2 $0x0  }
0x16: {  	s3 =	sld [smem:$0x3FDB];
	s0 =	simm.s32 @p2 $0x1  }
0x17: {  	s4 =	simm.s32 $0x1BF5;
	[smem:$0x3FB5] =	sst s0  }
0x18: {  	s0 =	sld [smem:$0x3F98];
	_ =	swait.ge [sflag:s4], $0x0  }
0x19: {  	s7 =	sld [smem:$0x3F99]  }
0x1a: {  	s8 =	sadd.s32 $0xFFFFE003, lr  }
0x1b: {  	s9 =	sadd.s32 $0xFFFFFEF7, lr;
	s5 =	simm.s32 $0xFFFFFFFF;
	p2 =	slt.u32 s8, $0xFFFFF086  }
0x1c: {  	p1 =	slt.u32 s9, $0xF7A;
	s5 =	simm.s32 @!p2 $0x0  }
0x1d: {  	s5 =	simm.s32 @p1 $0x1;
	p0 =	seq.s32 s7, s2  }
0x1e: {  	s7 =	smul.u32 @!p0 $0xF7A, s2;
	p2 =	seq.s32 @!p0 s5, $0x0  }
0x1f: {  	s9 =	smul.u32 $0xF7A, s1;
	s8 =	simm.s32 @!p0 $0x1BF5;
	p2 =	por !p2, p0  }
0x20: {  	[sflag:s8] =	ssyncset.s32 @!p0 $0xFFFFF086;
	s6 =	sadd.s32 @!p0 s3, s7;
	s7 =	simm.s32 @!p0 $0x108  }
0x21: {  	s3 =	sadd.s32 s3, s9;
	s6 =	sadd.s32 @!p0 $0x88, s6;
	s7 =	simm.s32 @p2 $0x1082  }
0x22: {  	[simem:s7], [sflag:s8] =	dma.local @!p0 [hbm:s6], $0xF7A  }
0x23: {  	s9 =	sor.u32 $0xD0000000, s2;
	s6 =	simm.s32 $0x108;
	_ =	swait.ge @!p0 [sflag:s8], $0x0  }
0x24: {  	s3 =	sadd.s32 $0x88, s3;
	s6 =	simm.s32 @!p1 $0x1082;
	[sflag:s4] =	ssyncset.s32 $0xFFFFF086  }
0x25: {  	[simem:s6], [sflag:s4] =	dma.local [hbm:s3], $0xF7A  }
0x26: {  	[smem:$0x3F99] =	sst s1;
	(tag) =	ssettag s2;
	_ =	strace s9  }
0x27: {  	s1 =	sld [smem:$0x3FA9]  }
0x28: {  	s2 =	sld [smem:$0x3FAA]  }
0x29: {  	s4 =	sld [smem:$0x3FAC]  }
0x2a: {  	p0 =	seq.s32 s5, $0x0;
	s5 =	sld [smem:$0x3FAD]  }
0x2b: {  	s6 =	sld [smem:$0x3FAE]  }
0x2c: {  	s7 =	sld [smem:$0x3FAF]  }
0x2d: {  	s3 =	simm.s32 $0x108;
	s8 =	sld [smem:$0x3FB0]  }
0x2e: {  	s3 =	simm.s32 @!p0 $0x1082;
	s9 =	sld [smem:$0x3FB1]  }
0x2f: {  	lr =	sadd.s32 s0, s3;
	s0 =	sld [smem:$0x3FA8]  }
0x30: {  	s3 =	sld [smem:$0x3FAB]  }
0x31: {  	[smem:$0x3FB4] =	sst s10  }
0x32: {  	s10 =	sld [smem:$0x3FB2];
	_ =	sdelay $0x3  }
0x33: {  	p0 =	seq.s32 s10, $0x1;
	s10 =	sld [smem:$0x3FB4];
	_ =	sdelay $0x3  }
0x34: {  	[smem:$0x3FB4] =	sst s10  }
0x35: {  	s10 =	sld [smem:$0x3FB3];
	_ =	sdelay $0x3  }
0x36: {  	p1 =	seq.s32 s10, $0x1;
	s10 =	sld [smem:$0x3FB4];
	_ =	sdelay $0x3  }
0x37: {  	[smem:$0x3FB4] =	sst s10  }
0x38: {  	s10 =	sld [smem:$0x3FB5]  }
0x39: {  	_ = 	snop;
	(pc) =	sbr.ind lr, $3  }
0x3a: {  	_ = 	snop  }
0x3b: {  	_ = 	snop  }
0x3c: {  	p2 =	seq.s32 s10, $0x1;
	s10 =	sld [smem:$0x3FB4]  }
0x3d: {  	_ =	shalt  }
0x3e: {  	_ =	shalt  }
0x3f: {  	_ =	shalt  }
0x40: {  	_ =	shalt  }
0x41: {  	_ =	shalt  }
0x42: {  	_ =	shalt  }
0x43: {  	_ =	shalt  }
0x44: {  	_ =	shalt  }
0x45: {  	_ =	shalt  }
0x46: {  	_ =	shalt  }
0x47: {  	_ =	shalt  }
0x48: {  	_ =	shalt  }
0x49: {  	_ =	shalt  }
0x4a: {  	_ =	shalt  }
0x4b: {  	_ =	shalt  }
0x4c: {  	_ =	shalt  }
0x4d: {  	_ =	shalt  }
0x4e: {  	_ =	shalt  }
0x4f: {  	_ =	shalt  }
0x50: {  	_ =	shalt  }
0x51: {  	_ =	shalt  }
0x52: {  	_ =	shalt  }
0x53: {  	_ =	shalt  }
0x54: {  	_ =	shalt  }
0x55: {  	_ =	shalt  }
0x56: {  	_ =	shalt  }
0x57: {  	_ =	shalt  }
0x58: {  	_ =	shalt  }
0x59: {  	_ =	shalt  }
0x5a: {  	_ =	shalt  }
0x5b: {  	_ =	shalt  }
0x5c: {  	_ =	shalt  }
0x5d: {  	_ =	shalt  }
0x5e: {  	_ =	shalt  }
0x5f: {  	_ =	shalt  }
0x60: {  	_ =	shalt  }
0x61: {  	_ =	shalt  }
0x62: {  	_ =	shalt  }
0x63: {  	_ =	shalt  }
0x64: {  	_ =	shalt  }
0x65: {  	_ =	shalt  }
0x66: {  	_ =	shalt  }
0x67: {  	_ =	shalt  }
0x68: {  	_ =	shalt  }
0x69: {  	_ =	shalt  }
0x6a: {  	_ =	shalt  }
0x6b: {  	_ =	shalt  }
0x6c: {  	_ =	shalt  }
0x6d: {  	_ =	shalt  }
0x6e: {  	_ =	shalt  }
0x6f: {  	_ =	shalt  }
0x70: {  	_ =	shalt  }
0x71: {  	_ =	shalt  }
0x72: {  	_ =	shalt  }
0x73: {  	_ =	shalt  }
0x74: {  	_ =	shalt  }
0x75: {  	_ =	shalt  }
0x76: {  	_ =	shalt  }
0x77: {  	_ =	shalt  }
0x78: {  	_ =	shalt  }
0x79: {  	_ =	shalt  }
0x7a: {  	_ =	shalt  }
0x7b: {  	_ =	shalt  }
0x7c: {  	_ =	shalt  }
0x7d: {  	_ =	shalt  }
0x7e: {  	_ =	shalt  }
0x7f: {  	_ =	shalt  }
0x80: {  	_ =	shalt  }
0x81: {  	_ =	shalt  }
0x82: {  	_ =	shalt  }
0x83: {  	_ =	shalt  }
0x84: {  	_ =	shalt  }
0x85: {  	_ =	shalt  }
0x86: {  	_ =	shalt  }
0x87: {  	_ =	shalt  }
.Lfunc_end0:
.L_simem_size_0:
called_computation.1_lowered:
.L_overlay_start_0:
0x88: {  	s2 =	sld [smem:$0x3FD9]  }
0x89: {  	s3 =	sld [smem:$0x3FFE];
	_ =	sdelay $0x1  }
0x8a: {  	s1 =	srdreg.scid  }
0x8b: {  	s0 =	sand.u32 $0x1, s1  }
0x8c: {  	s16 =	sshll.u32 s0, $0xA;
	s2 =	sadd.s32 s3, s2  }
0x8d: {  	s2 =	sadd.s32 s2, s16  }
0x8e: {  	[smem:$0x3FC0] =	sst s2  }
0x8f: {  	_ = 	snop  }
0x90: {  	(tm) =	ssettm $0x1  }
0x91: {  	s17 =	sld [smem:$0x3FFB];
	_ =	sdelay $0x3  }
0x92: {  	_ =	strace s17  }
0x93: {  	s2 =	sld [smem:$0x3FFC];
	_ =	sdelay $0x3  }
0x94: {  	_ =	strace s2  }
0x95: {  	s2 =	sld [smem:$0x3FFD];
	_ =	sdelay $0x3  }
0x96: {  	_ =	strace s2  }
0x97: {  	_ =	strace $0x8FFFFFFF  }
0x98: {  	s18 =	sld [smem:$0x3FDB];
	_ =	sdelay $0x1  }
0x99: {  	s19 =	simm.s32 $_scs_section_size  }
0x9a: {  	s4 =	simm.s32 $_size__tile_overlayer_lowered;
	s5 =	simm.s32 $_tile_overlayer_lowered  }
0x9b: {  	s22 =	simm.s32 $0x1BFF;
	s21 =	sshll.u32 s5, $0x1;
	s2 =	sadd.s32 s19, s18  }
0x9c: {  	s6 =	simm.s32 $0x0;
	s20 =	sshll.u32 s4, $0x1;
	s4 =	sadd.s32 s21, s2  }
0x9d: {  	[timem:s6], [sflag:s22] =	dma.local [hbm:s4], s20  }
0x9e: {  	_ =	swait.ge [sflag:s22], s20  }
0x9f: {  	s3 =	ssub.s32 $0x0, s20;
	[sflag:s22] =	ssyncset.done $0x0  }
0xa0: {  	[sflag:s22] =	ssyncadd.s32 s3;
	_ =	sdelay $0x1  }
0xa1: {  	s23 =	simm.s32 $0x1B8B  }
0xa2: {  	_ =	swait.ge [sflag:s23], $0x1  }
0xa3: {  	[sflag:s23] =	ssyncset.done $0x0  }
0xa4: {  	s25 =	simm.s32 $0x1B8E;
	s24 =	sld [smem:$0x3FFE];
	[sflag:s23] =	ssyncadd.s32 $0xFFFFFFFF  }
0xa5: {  	s26 =	simm.s32 $execute0_lowered;
	[smem:$0x3FD2] =	sst s25  }
0xa6: {  	s4 =	sshll.u32 s26, $0x1;
	_ =	strace $0x80000049;
	[dreg:$0x1] =	wrdreg $0xFFFFFFFF  }
0xa7: {  	s28 =	simm.s32 $_size_execute0_lowered;
	s2 =	sadd.s32 s2, s4;
	[dreg:$0x0] =	wrdreg $0x0  }
0xa8: {  	s4 =	sshll.u32 s28, $0x1;
	[dreg:$0x2] =	wrdreg s2  }
0xa9: {  	[dreg:$0x3] =	wrdreg s4  }
0xaa: {  	[dreg:$0x4] =	wrdreg $0xC0  }
0xab: {  	_ =	task [dreg:s6], $0x5FFFF  }
0xac: {  	[dreg:$0x1] =	wrdreg $0xFFFFFFFF  }
0xad: {  	[dreg:$0x0] =	wrdreg $0x60  }
0xae: {  	[dreg:$0x2] =	wrdreg s24  }
0xaf: {  	[dreg:$0x3] =	wrdreg $0x15000  }
0xb0: {  	[dreg:$0x4] =	wrdreg $0x9  }
0xb1: {  	_ =	task.clear_ibuf [dreg:s6], $0x5FFFF;
	_ =	strace $0x90000049  }
0xb2: {  	s29 =	simm.s32 $0x9;
	_ =	strace $0x8000004B  }
0xb3: {  	_ =	swait.ge [sflag:s29], $0x1  }
0xb4: {  	[sflag:s29] =	ssyncadd.s32 $0xFFFFFFFF  }
0xb5: {  	_ =	strace $0x9000004B  }
0xb6: {  	_ =	sfence  }
0xb7: {  	s30 =	sld [smem:$0x0];
	_ =	sdelay $0x2  }
0xb8: {  	s31 =	sshll.u32 s1, $0xD;
	s1 =	sshrl.u32 s1, $0x2  }
0xb9: {  	s3 =	sand.u32 $0x4000, s31;
	s1 =	sadd.s32 s1, s30  }
0xba: {  	s0 =	sor.u32 s3, s0;
	s1 =	sshll.u32 s1, $0x11  }
0xbb: {  	s0 =	sor.u32 s1, s0  }
0xbc: {  	s0 =	sadd.s32 $0x8F2B, s0  }
0xbd: {  	[sflag:s0] =	ssyncadd.remote.s32 $0x1  }
0xbe: {  	_ =	sfence.sel $0xFFFF  }
0xbf: {  	[dreg:$0x0] =	wrdreg $0xFFFFFFFF;
	(pc) =	sbr.abs _section_cstart, $3  }
0xc0: {  	[dreg:$0x1] =	wrdreg $0xFFFFFFFF  }
0xc1: {  	_ =	task.clear_ibuf [dreg:s6], $0x2FFFF;
	_ =	strace $0x9FFFFFFF  }
0xc2: {  	(tm) =	ssettm $0x7FFFFFFF  }
0xc3: {  	_ =	shalt  }
tec
execute0_lowered:
.L_overlay_start_1:
0x0: {  	(tag) =	ssettag $0x1  }
0x1: {  	s5 =	rddreg [dreg:$0x0];
	s0 =	srdreg.scid  }
0x2: {  	s2 =	rddreg [dreg:$0x1];
	s1 =	stileid.u32;
	s3 =	simm.s32 $0x0  }
0x3: {  	s14 =	simm.s32 $0x100;
	s15 =	simm.s32 $0x1;
	s8 =	smul.u32 $0x6400, s1  }
0x4: {  	s6 =	sand.u32 $0x1, s0;
	s0 =	rddreg [dreg:$0x2];
	s12 =	smul.u32 $0x280, s1  }
0x5: {  	s16 =	simm.s32 $0x0;
	[smem:$0x7FF] =	sst s3;
	s7 =	smul.u32 $0x2800, s6  }
0x6: {  	s4 =	sadd.s32 $0x38A00, s5;
	s31 =	sshll.u32 s1, $0x6;
	s9 =	smul.u32 $0x64000, s6  }
0x7: {  	_ =	strace $0x8000004A;
	s6 =	ssub.s32 $0x2, s6;
	s30 =	sshrl.u32 s8, $0x3  }
0x8: {  	s11 =	sshrl.u32 s6, $0x1;
	s13 =	sadd.s32 s8, s2;
	s10 =	sadd.s32 s7, s5  }
0x9: {  	s9 =	sadd.s32 s8, s9;
	s7 =	sadd.s32 s30, s5;
	s11 =	ssub.s32 s6, s11  }
0xa: {  	s6 =	sor.u32 $0x1C02, s31;
	s9 =	sshrl.u32 s9, $0x3;
	s10 =	sadd.s32 s12, s10  }
0xb: {  	s8 =	smax.u32 s11, $0x1;
	s11 =	sshrl.u32 s13, $0x3;
	s12 =	simm.s32 $0x2  }
0xc: {  	s13 =	simm.s32 $0x80;
	s9 =	sadd.s32 s9, s5;
	s5 =	sadd.s32 $0x45200, s7  }
0xd: {  	s7 =	sadd.s32 $0x51A00, s9;
	s9 =	sadd.s32 $0x2EA00, s10;
	s10 =	sadd.s32 $0x33A00, s10  }
.LBB2_1:
0xe: {  	[spmem:s11], [sflag:s6] =	dma.local [hbm:s5], $0xC80  }
0xf: {  	_ =	swait.ge [sflag:s12], $0xC80  }
0x10: {  	[sflag:s12] =	ssyncset.done $0x0  }
0x11: {  	[sflag:s12] =	ssyncadd.s32 $0xFFFFF380  }
0x12: {  	s17 =	sadd.s32 $0x0, s10;
	[bflag:$0x0] =	sbarrier.arrive $0xFFFF  }
0x13: {  	[tilespmem:s3], [sflag:$0x2] =	stream.linear.gather [hbm4b:s17+s3], $0x80, $0x38;
	[tilespmem:$0x7900] =	vst v63  }
0x14: {  	_ =	swait.ge [sflag:s12], $0x80  }
0x15: {  	[sflag:s12] =	ssyncset.done $0x0  }
0x16: {  	s31 =	sadd.s32 $0x0, s9;
	[sflag:s12] =	ssyncadd.s32 $0xFFFFFF80  }
0x17: {  	[tilespmem:s13], [sflag:$0x2] =	stream.linear.gather [hbm4b:s31+s3], $0x80, $0x38;
	[tilespmem:$0x7900] =	vst v63  }
0x18: {  	_ =	swait.ge [sflag:s12], $0x80  }
0x19: {  	[sflag:s12] =	ssyncset.done $0x0  }
0x1a: {  	[sflag:s12] =	ssyncadd.s32 $0xFFFFFF80  }
0x1b: {  	[tilespmem:s14], [sflag:$0x1] =	stream.indirect.gather [hbm4b:s4+s13], $0x28, s3, s13, $0xb8;
	[tilespmem:$0x7900] =	vst v63  }
0x1c: {  	_ =	swait.ge [sflag:s15], $0x1400  }
0x1d: {  	[sflag:s15] =	ssyncset.done $0x0  }
0x1e: {  	[sflag:s15] =	ssyncadd.s32 $0xFFFFEC00  }
0x1f: {  	[spmem:s2] =	stream.indirect.scatter.add.f32 [tilespmem:s14], [sflag:$0x2], $0x28, s13, s13, $0xb8;
	[tilespmem:$0x7900] =	vst v63  }
0x20: {  	_ =	swait.ge [sflag:s12], $0x1400  }
0x21: {  	s18 =	simm.s32 $0x20;
	s17 =	simm.s32 $0x10;
	[sflag:s12] =	ssyncset.done $0x0  }
.LBB2_2:
0x22: {  	s19 =	sadd.s32 s17, s10  }
0x23: {  	[sflag:s12] =	ssyncadd.s32 $0xFFFFEC00;
	s20 =	smov.u32 s18;
	s21 =	sadd.s32 $0x10, s18  }
0x24: {  	[tilespmem:s3], [sflag:$0x2] =	stream.linear.gather [hbm4b:s19+s3], $0x80, $0x38;
	[tilespmem:$0x7900] =	vst v63  }
0x25: {  	p0 =	sne.s32 s18, $0x270;
	_ =	swait.ge [sflag:s12], $0x80  }
0x26: {  	[sflag:s12] =	ssyncset.done $0x0  }
0x27: {  	s18 =	sadd.s32 s17, s9;
	s17 =	smov.u32 s20;
	[sflag:s12] =	ssyncadd.s32 $0xFFFFFF80  }
0x28: {  	[tilespmem:s13], [sflag:$0x2] =	stream.linear.gather [hbm4b:s18+s3], $0x80, $0x38;
	[tilespmem:$0x7900] =	vst v63  }
0x29: {  	_ =	swait.ge [sflag:s12], $0x80  }
0x2a: {  	[sflag:s12] =	ssyncset.done $0x0  }
0x2b: {  	[sflag:s12] =	ssyncadd.s32 $0xFFFFFF80  }
0x2c: {  	[tilespmem:s14], [sflag:$0x1] =	stream.indirect.gather [hbm4b:s4+s13], $0x28, s3, s13, $0xb8;
	[tilespmem:$0x7900] =	vst v63  }
0x2d: {  	_ =	swait.ge [sflag:s15], $0x1400  }
.Ltmp0:
0x2e: {  	[sflag:s15] =	ssyncset.done $0x0;
	(pc) =	sbr.rel @p0 .LBB2_2-.Ltmp0, $4  }
0x2f: {  	[sflag:s15] =	ssyncadd.s32 $0xFFFFEC00  }
0x30: {  	[spmem:s2] =	stream.indirect.scatter.add.f32 [tilespmem:s14], [sflag:$0x2], $0x28, s13, s13, $0xb8;
	[tilespmem:$0x7900] =	vst v63  }
0x31: {  	_ =	swait.ge [sflag:s12], $0x1400  }
0x32: {  	s18 =	smov.u32 s21;
	[sflag:s12] =	ssyncset.done $0x0  }
0x33: {  	s18 =	sadd.s32 s17, s10;
	[sflag:s12] =	ssyncadd.s32 $0xFFFFEC00  }
0x34: {  	[tilespmem:s3], [sflag:$0x2] =	stream.linear.gather [hbm4b:s18+s3], $0x80, $0x38;
	[tilespmem:$0x7900] =	vst v63  }
0x35: {  	_ =	swait.ge [sflag:s12], $0x80  }
0x36: {  	[sflag:s12] =	ssyncset.done $0x0  }
0x37: {  	s31 =	sadd.s32 s17, s9;
	[sflag:s12] =	ssyncadd.s32 $0xFFFFFF80  }
0x38: {  	[tilespmem:s13], [sflag:$0x2] =	stream.linear.gather [hbm4b:s31+s3], $0x80, $0x38;
	[tilespmem:$0x7900] =	vst v63  }
0x39: {  	_ =	swait.ge [sflag:s12], $0x80  }
0x3a: {  	[sflag:s12] =	ssyncset.done $0x0  }
0x3b: {  	[sflag:s12] =	ssyncadd.s32 $0xFFFFFF80  }
0x3c: {  	[tilespmem:s14], [sflag:$0x1] =	stream.indirect.gather [hbm4b:s4+s13], $0x28, s3, s13, $0xb8;
	[tilespmem:$0x7900] =	vst v63  }
0x3d: {  	_ =	swait.ge [sflag:s15], $0x1400  }
0x3e: {  	[sflag:s15] =	ssyncset.done $0x0  }
0x3f: {  	[sflag:s15] =	ssyncadd.s32 $0xFFFFEC00  }
0x40: {  	[spmem:s2] =	stream.indirect.scatter.add.f32 [tilespmem:s14], [sflag:$0x2], $0x28, s13, s13, $0xb8;
	[tilespmem:$0x7900] =	vst v63  }
0x41: {  	_ =	swait.ge [sflag:s12], $0x1400  }
0x42: {  	s16 =	sadd.s32 $0x1, s16;
	[sflag:s12] =	ssyncset.done $0x0  }
0x43: {  	p0 =	sne.s32 s16, s8;
	[sflag:s12] =	ssyncadd.s32 $0xFFFFEC00  }
.Ltmp1:
0x44: {  	[bflag:$0x0] =	sbarrier.arrive $0xFFFF;
	(pc) =	sbr.rel @p0 .LBB2_1-.Ltmp1, $4  }
0x45: {  	[hbm:s7], [sflag:s6] =	dma.local [spmem:s11], $0xC80  }
0x46: {  	_ =	swait.ge [sflag:s12], $0xC80  }
0x47: {  	[sflag:s12] =	ssyncset.done $0x0  }
0x48: {  	[sflag:s12] =	ssyncadd.s32 $0xFFFFF380  }
0x49: {  	_ =	sfence.sel $0x180000  }
0x4a: {  	[bflag:$0x0] =	sbarrier.arrive $0xFFFF  }
0x4b: {  	p0 =	sne.s32 s1, $0x0;
	_ =	strace $0x9000004A  }
0x4c: {  	s0 =	sadd.s32 @!p0 $0x100000, s0;
	[bflag:$0x2] =	sbarrier.arrive $0xFFFF  }
0x4d: {  	[sflag:s0] =	ssyncadd.tile.s32 @!p0 $0x1;
	_ =	shalt  }
.Lfunc_end2:
_tile_overlayer_lowered:
.L_overlay_start_2:
0x4e: {  	(tag) =	ssettag $0x2  }
0x4f: {  	s0 =	rddreg [dreg:$0x0];
	s2 =	stileid.u32  }
0x50: {  	s1 =	rddreg [dreg:$0x1];
	p0 =	sne.s32 s2, $0x0  }
0x51: {  	s3 =	rddreg [dreg:$0x2];
	[bflag:$0x3] =	sbarrier.arrive $0xFFFF;
	s2 =	simm.s32 @!p0 $0x1C02  }
0x52: {  	[timem:s3], [sflag:s2] =	dma.local @!p0 [hbm:s0], s1  }
0x53: {  	s0 =	simm.s32 @!p0 $0x2  }
0x54: {  	_ =	swait.ge @!p0 [sflag:s0], s1  }
0x55: {  	s1 =	ssub.s32 @!p0 $0x0, s1;
	[sflag:s0] =	ssyncset.done @!p0 $0x0  }
0x56: {  	[sflag:s0] =	ssyncadd.s32 @!p0 s1  }
0x57: {  	[bflag:$0x3] =	sbarrier.arrive $0xFFFF  }
0x58: {  	_ =	shalt  }

// kernel: kernel.7.cloned.1.call-start
scs
__scs_entry_jumppad:
0x0: {  	(pc) =	sbr.rel $0x88, $3  }
0x1: {  	(tag) =	ssettag $0x0;
	lr =	simm.s32 $0x1  }
0x2: {  	[smem:$0x3F99] =	sst lr;
	_ =	strace $0xD0000000  }
0x3: {  	_ = 	snop  }
0x4: {  	_ = 	snop  }
0x5: {  	_ = 	snop  }
0x6: {  	_ = 	snop  }
0x7: {  	_ = 	snop  }
__scs_overlays_trampoline_lowered:
0x8: {  	[smem:$0x3FA8] =	sst s0  }
0x9: {  	[smem:$0x3FA9] =	sst s1  }
0xa: {  	[smem:$0x3FAA] =	sst s2  }
0xb: {  	[smem:$0x3FAB] =	sst s3  }
0xc: {  	[smem:$0x3FAC] =	sst s4  }
0xd: {  	[smem:$0x3FAD] =	sst s5  }
0xe: {  	[smem:$0x3FAE] =	sst s6  }
0xf: {  	[smem:$0x3FAF] =	sst s7  }
0x10: {  	[smem:$0x3FB0] =	sst s8  }
0x11: {  	[smem:$0x3FB1] =	sst s9;
	s0 =	simm.s32 @!p0 $0x0  }
0x12: {  	s1 =	sld [smem:$0x3F97];
	s0 =	simm.s32 @p0 $0x1  }
0x13: {  	[smem:$0x3FB2] =	sst s0;
	s0 =	simm.s32 @!p1 $0x0  }
0x14: {  	s2 =	sld [smem:$0x3F96];
	s0 =	simm.s32 @p1 $0x1  }
0x15: {  	[smem:$0x3FB3] =	sst s0;
	s0 =	simm.s32 @!p2 $0x0  }
0x16: {  	s3 =	sld [smem:$0x3FDB];
	s0 =	simm.s32 @p2 $0x1  }
0x17: {  	s4 =	simm.s32 $0x1BF5;
	[smem:$0x3FB5] =	sst s0  }
0x18: {  	s0 =	sld [smem:$0x3F98];
	_ =	swait.ge [sflag:s4], $0x0  }
0x19: {  	s7 =	sld [smem:$0x3F99]  }
0x1a: {  	s8 =	sadd.s32 $0xFFFFE003, lr  }
0x1b: {  	s9 =	sadd.s32 $0xFFFFFEF7, lr;
	s5 =	simm.s32 $0xFFFFFFFF;
	p2 =	slt.u32 s8, $0xFFFFF086  }
0x1c: {  	p1 =	slt.u32 s9, $0xF7A;
	s5 =	simm.s32 @!p2 $0x0  }
0x1d: {  	s5 =	simm.s32 @p1 $0x1;
	p0 =	seq.s32 s7, s2  }
0x1e: {  	s7 =	smul.u32 @!p0 $0xF7A, s2;
	p2 =	seq.s32 @!p0 s5, $0x0  }
0x1f: {  	s9 =	smul.u32 $0xF7A, s1;
	s8 =	simm.s32 @!p0 $0x1BF5;
	p2 =	por !p2, p0  }
0x20: {  	[sflag:s8] =	ssyncset.s32 @!p0 $0xFFFFF086;
	s6 =	sadd.s32 @!p0 s3, s7;
	s7 =	simm.s32 @!p0 $0x108  }
0x21: {  	s3 =	sadd.s32 s3, s9;
	s6 =	sadd.s32 @!p0 $0x88, s6;
	s7 =	simm.s32 @p2 $0x1082  }
0x22: {  	[simem:s7], [sflag:s8] =	dma.local @!p0 [hbm:s6], $0xF7A  }
0x23: {  	s9 =	sor.u32 $0xD0000000, s2;
	s6 =	simm.s32 $0x108;
	_ =	swait.ge @!p0 [sflag:s8], $0x0  }
0x24: {  	s3 =	sadd.s32 $0x88, s3;
	s6 =	simm.s32 @!p1 $0x1082;
	[sflag:s4] =	ssyncset.s32 $0xFFFFF086  }
0x25: {  	[simem:s6], [sflag:s4] =	dma.local [hbm:s3], $0xF7A  }
0x26: {  	[smem:$0x3F99] =	sst s1;
	(tag) =	ssettag s2;
	_ =	strace s9  }
0x27: {  	s1 =	sld [smem:$0x3FA9]  }
0x28: {  	s2 =	sld [smem:$0x3FAA]  }
0x29: {  	s4 =	sld [smem:$0x3FAC]  }
0x2a: {  	p0 =	seq.s32 s5, $0x0;
	s5 =	sld [smem:$0x3FAD]  }
0x2b: {  	s6 =	sld [smem:$0x3FAE]  }
0x2c: {  	s7 =	sld [smem:$0x3FAF]  }
0x2d: {  	s3 =	simm.s32 $0x108;
	s8 =	sld [smem:$0x3FB0]  }
0x2e: {  	s3 =	simm.s32 @!p0 $0x1082;
	s9 =	sld [smem:$0x3FB1]  }
0x2f: {  	lr =	sadd.s32 s0, s3;
	s0 =	sld [smem:$0x3FA8]  }
0x30: {  	s3 =	sld [smem:$0x3FAB]  }
0x31: {  	[smem:$0x3FB4] =	sst s10  }
0x32: {  	s10 =	sld [smem:$0x3FB2];
	_ =	sdelay $0x3  }
0x33: {  	p0 =	seq.s32 s10, $0x1;
	s10 =	sld [smem:$0x3FB4];
	_ =	sdelay $0x3  }
0x34: {  	[smem:$0x3FB4] =	sst s10  }
0x35: {  	s10 =	sld [smem:$0x3FB3];
	_ =	sdelay $0x3  }
0x36: {  	p1 =	seq.s32 s10, $0x1;
	s10 =	sld [smem:$0x3FB4];
	_ =	sdelay $0x3  }
0x37: {  	[smem:$0x3FB4] =	sst s10  }
0x38: {  	s10 =	sld [smem:$0x3FB5]  }
0x39: {  	_ = 	snop;
	(pc) =	sbr.ind lr, $3  }
0x3a: {  	_ = 	snop  }
0x3b: {  	_ = 	snop  }
0x3c: {  	p2 =	seq.s32 s10, $0x1;
	s10 =	sld [smem:$0x3FB4]  }
0x3d: {  	_ =	shalt  }
0x3e: {  	_ =	shalt  }
0x3f: {  	_ =	shalt  }
0x40: {  	_ =	shalt  }
0x41: {  	_ =	shalt  }
0x42: {  	_ =	shalt  }
0x43: {  	_ =	shalt  }
0x44: {  	_ =	shalt  }
0x45: {  	_ =	shalt  }
0x46: {  	_ =	shalt  }
0x47: {  	_ =	shalt  }
0x48: {  	_ =	shalt  }
0x49: {  	_ =	shalt  }
0x4a: {  	_ =	shalt  }
0x4b: {  	_ =	shalt  }
0x4c: {  	_ =	shalt  }
0x4d: {  	_ =	shalt  }
0x4e: {  	_ =	shalt  }
0x4f: {  	_ =	shalt  }
0x50: {  	_ =	shalt  }
0x51: {  	_ =	shalt  }
0x52: {  	_ =	shalt  }
0x53: {  	_ =	shalt  }
0x54: {  	_ =	shalt  }
0x55: {  	_ =	shalt  }
0x56: {  	_ =	shalt  }
0x57: {  	_ =	shalt  }
0x58: {  	_ =	shalt  }
0x59: {  	_ =	shalt  }
0x5a: {  	_ =	shalt  }
0x5b: {  	_ =	shalt  }
0x5c: {  	_ =	shalt  }
0x5d: {  	_ =	shalt  }
0x5e: {  	_ =	shalt  }
0x5f: {  	_ =	shalt  }
0x60: {  	_ =	shalt  }
0x61: {  	_ =	shalt  }
0x62: {  	_ =	shalt  }
0x63: {  	_ =	shalt  }
0x64: {  	_ =	shalt  }
0x65: {  	_ =	shalt  }
0x66: {  	_ =	shalt  }
0x67: {  	_ =	shalt  }
0x68: {  	_ =	shalt  }
0x69: {  	_ =	shalt  }
0x6a: {  	_ =	shalt  }
0x6b: {  	_ =	shalt  }
0x6c: {  	_ =	shalt  }
0x6d: {  	_ =	shalt  }
0x6e: {  	_ =	shalt  }
0x6f: {  	_ =	shalt  }
0x70: {  	_ =	shalt  }
0x71: {  	_ =	shalt  }
0x72: {  	_ =	shalt  }
0x73: {  	_ =	shalt  }
0x74: {  	_ =	shalt  }
0x75: {  	_ =	shalt  }
0x76: {  	_ =	shalt  }
0x77: {  	_ =	shalt  }
0x78: {  	_ =	shalt  }
0x79: {  	_ =	shalt  }
0x7a: {  	_ =	shalt  }
0x7b: {  	_ =	shalt  }
0x7c: {  	_ =	shalt  }
0x7d: {  	_ =	shalt  }
0x7e: {  	_ =	shalt  }
0x7f: {  	_ =	shalt  }
0x80: {  	_ =	shalt  }
0x81: {  	_ =	shalt  }
0x82: {  	_ =	shalt  }
0x83: {  	_ =	shalt  }
0x84: {  	_ =	shalt  }
0x85: {  	_ =	shalt  }
0x86: {  	_ =	shalt  }
0x87: {  	_ =	shalt  }
.Lfunc_end0:
.L_simem_size_0:
called_computation_lowered:
.L_overlay_start_0:
0x88: {  	s2 =	sld [smem:$0x3FD9]  }
0x89: {  	s3 =	sld [smem:$0x3FFE];
	_ =	sdelay $0x1  }
0x8a: {  	s1 =	srdreg.scid  }
0x8b: {  	s0 =	sand.u32 $0x1, s1  }
0x8c: {  	s17 =	sshll.u32 s0, $0xA;
	s2 =	sadd.s32 s3, s2  }
0x8d: {  	s2 =	sadd.s32 s2, s17  }
0x8e: {  	[smem:$0x3FC0] =	sst s2  }
0x8f: {  	_ = 	snop  }
0x90: {  	s2 =	sld [smem:$0x3FD0];
	(tm) =	ssettm $0x1  }
0x91: {  	s18 =	sld [smem:$0x3FFB];
	_ =	sdelay $0x3  }
0x92: {  	_ =	strace s18  }
0x93: {  	s3 =	sld [smem:$0x3FFC];
	_ =	sdelay $0x3  }
0x94: {  	_ =	strace s3  }
0x95: {  	s3 =	sld [smem:$0x3FFD];
	_ =	sdelay $0x3  }
0x96: {  	_ =	strace s3  }
0x97: {  	_ =	strace $0x8FFFFFFF  }
0x98: {  	s19 =	sld [smem:$0x3FDB];
	_ =	sdelay $0x1  }
0x99: {  	s4 =	simm.s32 $_scs_section_size  }
0x9a: {  	s5 =	simm.s32 $_size__tile_overlayer_lowered;
	s6 =	simm.s32 $_tile_overlayer_lowered  }
0x9b: {  	s22 =	simm.s32 $0x1BFF;
	s21 =	sshll.u32 s6, $0x1;
	s3 =	sadd.s32 s4, s19  }
0x9c: {  	s7 =	simm.s32 $0x0;
	s20 =	sshll.u32 s5, $0x1;
	s5 =	sadd.s32 s21, s3  }
0x9d: {  	[timem:s7], [sflag:s22] =	dma.local [hbm:s5], s20  }
0x9e: {  	_ =	swait.ge [sflag:s22], s20  }
0x9f: {  	s4 =	ssub.s32 $0x0, s20;
	[sflag:s22] =	ssyncset.done $0x0  }
0xa0: {  	[sflag:s22] =	ssyncadd.s32 s4;
	_ =	sdelay $0x1  }
0xa1: {  	s23 =	simm.s32 $0x1B8B  }
0xa2: {  	_ =	swait.ge [sflag:s23], $0x1  }
0xa3: {  	[sflag:s23] =	ssyncset.done $0x0  }
0xa4: {  	s25 =	simm.s32 $0x1B8E;
	s24 =	sld [smem:$0x3FFE];
	[sflag:s23] =	ssyncadd.s32 $0xFFFFFFFF  }
0xa5: {  	s26 =	simm.s32 $execute0_lowered;
	[smem:$0x3FD2] =	sst s25  }
0xa6: {  	s5 =	sshll.u32 s26, $0x1;
	_ =	strace $0x80000046;
	[dreg:$0x1] =	wrdreg $0xFFFFFFFF  }
0xa7: {  	s28 =	simm.s32 $_size_execute0_lowered;
	s3 =	sadd.s32 s3, s5;
	[dreg:$0x0] =	wrdreg $0x0  }
0xa8: {  	s5 =	sshll.u32 s28, $0x1;
	[dreg:$0x2] =	wrdreg s3  }
0xa9: {  	[dreg:$0x3] =	wrdreg s5  }
0xaa: {  	[dreg:$0x4] =	wrdreg $0xC0  }
0xab: {  	_ =	task [dreg:s7], $0x5FFFF  }
0xac: {  	[dreg:$0x1] =	wrdreg $0xFFFFFFFF  }
0xad: {  	[dreg:$0x0] =	wrdreg $0x60  }
0xae: {  	[dreg:$0x2] =	wrdreg s24  }
0xaf: {  	[dreg:$0x3] =	wrdreg s2  }
0xb0: {  	[dreg:$0x4] =	wrdreg $0x9000  }
0xb1: {  	[dreg:$0x5] =	wrdreg $0x39000  }
0xb2: {  	[dreg:$0x6] =	wrdreg $0x9  }
0xb3: {  	_ =	task.clear_ibuf [dreg:s7], $0x7FFFF;
	_ =	strace $0x90000046  }
0xb4: {  	s29 =	simm.s32 $0x9;
	_ =	strace $0x80000048  }
0xb5: {  	_ =	swait.ge [sflag:s29], $0x1  }
0xb6: {  	[sflag:s29] =	ssyncadd.s32 $0xFFFFFFFF  }
0xb7: {  	_ =	strace $0x90000048  }
0xb8: {  	_ =	sfence  }
0xb9: {  	s30 =	sld [smem:$0x0];
	_ =	sdelay $0x2  }
0xba: {  	s31 =	sshll.u32 s1, $0xD;
	s1 =	sshrl.u32 s1, $0x2  }
0xbb: {  	s3 =	sand.u32 $0x4000, s31;
	s1 =	sadd.s32 s1, s30  }
0xbc: {  	s0 =	sor.u32 s3, s0;
	s1 =	sshll.u32 s1, $0x11  }
0xbd: {  	s0 =	sor.u32 s1, s0  }
0xbe: {  	s0 =	sadd.s32 $0x8F2B, s0  }
0xbf: {  	[sflag:s0] =	ssyncadd.remote.s32 $0x1  }
0xc0: {  	_ =	sfence.sel $0xFFFF  }
0xc1: {  	[dreg:$0x0] =	wrdreg $0xFFFFFFFF;
	(pc) =	sbr.abs _section_cstart, $3  }
0xc2: {  	[dreg:$0x1] =	wrdreg $0xFFFFFFFF  }
0xc3: {  	_ =	task.clear_ibuf [dreg:s7], $0x2FFFF;
	_ =	strace $0x9FFFFFFF  }
0xc4: {  	(tm) =	ssettm $0x7FFFFFFF  }
0xc5: {  	_ =	shalt  }
tec
execute0_lowered:
.L_overlay_start_1:
0x0: {  	(tag) =	ssettag $0x1  }
0x1: {  	s7 =	rddreg [dreg:$0x0]  }
0x2: {  	s9 =	rddreg [dreg:$0x1]  }
0x3: {  	s1 =	rddreg [dreg:$0x2];
	s0 =	srdreg.scid  }
0x4: {  	s3 =	rddreg [dreg:$0x3];
	s2 =	stileid.u32  }
0x5: {  	s4 =	simm.s32 $0x0;
	s19 =	simm.s32 $0x100;
	s20 =	simm.s32 $0x1  }
0x6: {  	s6 =	sand.u32 $0x1, s0;
	s0 =	rddreg [dreg:$0x4];
	s10 =	smul.u32 $0x2800, s2  }
0x7: {  	s21 =	simm.s32 $0x0;
	[smem:$0x7FF] =	sst s4;
	s16 =	smul.u32 $0x280, s2  }
0x8: {  	s5 =	sadd.s32 $0x29A00, s7;
	s15 =	sshll.u32 s2, $0x6;
	s8 =	smul.u32 $0x2800, s6  }
0x9: {  	s11 =	smul.u32 $0x28000, s6;
	_ =	strace $0x80000047;
	s13 =	ssub.s32 $0x2, s6  }
0xa: {  	s6 =	sadd.s32 $0x3DA00, s7;
	s29 =	sshrl.u32 s10, $0x3;
	s30 =	sshrl.u32 s13, $0x1  }
0xb: {  	s17 =	sadd.s32 s10, s1;
	s18 =	sadd.s32 s10, s3;
	s12 =	sadd.s32 s8, s7  }
0xc: {  	s11 =	sadd.s32 s10, s11;
	s8 =	sadd.s32 s29, s7;
	s13 =	ssub.s32 s13, s30  }
0xd: {  	s11 =	sshrl.u32 s11, $0x3;
	s31 =	sadd.s32 s16, s12;
	s16 =	sshrl.u32 s18, $0x3  }
0xe: {  	s18 =	simm.s32 $0x80;
	s14 =	sadd.s32 s11, s7;
	s7 =	sadd.s32 $0x38A00, s8  }
0xf: {  	s8 =	sor.u32 $0x1C02, s15;
	s9 =	sadd.s32 s9, s11;
	s11 =	smax.u32 s13, $0x1  }
0x10: {  	s12 =	sadd.s32 $0x2EA00, s31;
	s13 =	sadd.s32 $0x33A00, s31;
	s15 =	simm.s32 $0x2  }
0x11: {  	s10 =	sadd.s32 $0x3DC00, s14;
	s14 =	sshrl.u32 s17, $0x3;
	s17 =	simm.s32 $0x3100  }
.LBB2_1:
0x12: {  	[spmem:s14], [sflag:s8] =	dma.local [hbm:s7], $0x500  }
0x13: {  	_ =	swait.ge [sflag:s15], $0x500  }
0x14: {  	[sflag:s15] =	ssyncset.done $0x0  }
0x15: {  	[sflag:s15] =	ssyncadd.s32 $0xFFFFFB00  }
0x16: {  	[spmem:s16], [sflag:s8] =	dma.local [hbm:s7], $0x500  }
0x17: {  	_ =	swait.ge [sflag:s15], $0x500  }
0x18: {  	[sflag:s15] =	ssyncset.done $0x0  }
0x19: {  	[sflag:s15] =	ssyncadd.s32 $0xFFFFFB00  }
0x1a: {  	[tilespmem:s17], [sflag:$0x2] =	stream.linear.gather [hbm4b:s6+s4], $0x800, $0x38;
	[tilespmem:$0x6100] =	vst v63  }
0x1b: {  	_ =	swait.ge [sflag:s15], $0x800  }
0x1c: {  	[sflag:s15] =	ssyncset.done $0x0  }
0x1d: {  	[sflag:s15] =	ssyncadd.s32 $0xFFFFF800  }
0x1e: {  	s22 =	sadd.s32 $0x0, s13;
	[bflag:$0x0] =	sbarrier.arrive $0xFFFF  }
0x1f: {  	[tilespmem:s4], [sflag:$0x2] =	stream.linear.gather [hbm4b:s22+s4], $0x80, $0x38;
	[tilespmem:$0x6100] =	vst v63  }
0x20: {  	_ =	swait.ge [sflag:s15], $0x80  }
0x21: {  	[sflag:s15] =	ssyncset.done $0x0  }
0x22: {  	s31 =	sadd.s32 $0x0, s12;
	[sflag:s15] =	ssyncadd.s32 $0xFFFFFF80  }
0x23: {  	[tilespmem:s18], [sflag:$0x2] =	stream.linear.gather [hbm4b:s31+s4], $0x80, $0x38;
	[tilespmem:$0x6100] =	vst v63  }
0x24: {  	_ =	swait.ge [sflag:s15], $0x80  }
0x25: {  	[sflag:s15] =	ssyncset.done $0x0  }
0x26: {  	[sflag:s15] =	ssyncadd.s32 $0xFFFFFF80  }
0x27: {  	[tilespmem:s19], [sflag:$0x1] =	stream.indirect.gather [hbm4b:s5+s18], $0x10, s4, s18, $0xb8;
	[tilespmem:$0x6100] =	vst v63  }
0x28: {  	_ =	swait.ge [sflag:s20], $0x800  }
0x29: {  	[sflag:s20] =	ssyncset.done $0x0  }
0x2a: {  	[sflag:s20] =	ssyncadd.s32 $0xFFFFF800  }
0x2b: {  	[spmem:s1] =	stream.indirect.scatter.add.f32 [tilespmem:s19], [sflag:$0x2], $0x10, s18, s18, $0xb8;
	[tilespmem:$0x6100] =	vst v63  }
0x2c: {  	_ =	swait.ge [sflag:s15], $0x800  }
0x2d: {  	[sflag:s15] =	ssyncset.done $0x0  }
0x2e: {  	[sflag:s15] =	ssyncadd.s32 $0xFFFFF800  }
0x2f: {  	[spmem:s3] =	stream.indirect.scatter.add.f32 [tilespmem:s17], [sflag:$0x2], $0x10, s18, s18, $0xb8;
	[tilespmem:$0x6100] =	vst v63  }
0x30: {  	_ =	swait.ge [sflag:s15], $0x800  }
0x31: {  	s23 =	simm.s32 $0x20;
	s22 =	simm.s32 $0x10;
	[sflag:s15] =	ssyncset.done $0x0  }
.LBB2_2:
0x32: {  	s24 =	sadd.s32 s22, s13  }
0x33: {  	[sflag:s15] =	ssyncadd.s32 $0xFFFFF800;
	s25 =	smov.u32 s23;
	s26 =	sadd.s32 $0x10, s23  }
0x34: {  	[tilespmem:s4], [sflag:$0x2] =	stream.linear.gather [hbm4b:s24+s4], $0x80, $0x38;
	[tilespmem:$0x6100] =	vst v63  }
0x35: {  	p0 =	sne.s32 s23, $0x270;
	_ =	swait.ge [sflag:s15], $0x80  }
0x36: {  	[sflag:s15] =	ssyncset.done $0x0  }
0x37: {  	s23 =	sadd.s32 s22, s12;
	s22 =	smov.u32 s25;
	[sflag:s15] =	ssyncadd.s32 $0xFFFFFF80  }
0x38: {  	[tilespmem:s18], [sflag:$0x2] =	stream.linear.gather [hbm4b:s23+s4], $0x80, $0x38;
	[tilespmem:$0x6100] =	vst v63  }
0x39: {  	_ =	swait.ge [sflag:s15], $0x80  }
0x3a: {  	[sflag:s15] =	ssyncset.done $0x0  }
0x3b: {  	[sflag:s15] =	ssyncadd.s32 $0xFFFFFF80  }
0x3c: {  	[tilespmem:s19], [sflag:$0x1] =	stream.indirect.gather [hbm4b:s5+s18], $0x10, s4, s18, $0xb8;
	[tilespmem:$0x6100] =	vst v63  }
0x3d: {  	_ =	swait.ge [sflag:s20], $0x800  }
0x3e: {  	[sflag:s20] =	ssyncset.done $0x0  }
0x3f: {  	[sflag:s20] =	ssyncadd.s32 $0xFFFFF800  }
0x40: {  	[spmem:s1] =	stream.indirect.scatter.add.f32 [tilespmem:s19], [sflag:$0x2], $0x10, s18, s18, $0xb8;
	[tilespmem:$0x6100] =	vst v63  }
0x41: {  	_ =	swait.ge [sflag:s15], $0x800  }
.Ltmp0:
0x42: {  	[sflag:s15] =	ssyncset.done $0x0;
	(pc) =	sbr.rel @p0 .LBB2_2-.Ltmp0, $4  }
0x43: {  	[sflag:s15] =	ssyncadd.s32 $0xFFFFF800  }
0x44: {  	[spmem:s3] =	stream.indirect.scatter.add.f32 [tilespmem:s17], [sflag:$0x2], $0x10, s18, s18, $0xb8;
	[tilespmem:$0x6100] =	vst v63  }
0x45: {  	_ =	swait.ge [sflag:s15], $0x800  }
0x46: {  	s23 =	smov.u32 s26;
	[sflag:s15] =	ssyncset.done $0x0  }
0x47: {  	s23 =	sadd.s32 s22, s13;
	[sflag:s15] =	ssyncadd.s32 $0xFFFFF800  }
0x48: {  	[tilespmem:s4], [sflag:$0x2] =	stream.linear.gather [hbm4b:s23+s4], $0x80, $0x38;
	[tilespmem:$0x6100] =	vst v63  }
0x49: {  	_ =	swait.ge [sflag:s15], $0x80  }
0x4a: {  	[sflag:s15] =	ssyncset.done $0x0  }
0x4b: {  	s31 =	sadd.s32 s22, s12;
	[sflag:s15] =	ssyncadd.s32 $0xFFFFFF80  }
0x4c: {  	[tilespmem:s18], [sflag:$0x2] =	stream.linear.gather [hbm4b:s31+s4], $0x80, $0x38;
	[tilespmem:$0x6100] =	vst v63  }
0x4d: {  	_ =	swait.ge [sflag:s15], $0x80  }
0x4e: {  	[sflag:s15] =	ssyncset.done $0x0  }
0x4f: {  	[sflag:s15] =	ssyncadd.s32 $0xFFFFFF80  }
0x50: {  	[tilespmem:s19], [sflag:$0x1] =	stream.indirect.gather [hbm4b:s5+s18], $0x10, s4, s18, $0xb8;
	[tilespmem:$0x6100] =	vst v63  }
0x51: {  	_ =	swait.ge [sflag:s20], $0x800  }
0x52: {  	[sflag:s20] =	ssyncset.done $0x0  }
0x53: {  	[sflag:s20] =	ssyncadd.s32 $0xFFFFF800  }
0x54: {  	[spmem:s1] =	stream.indirect.scatter.add.f32 [tilespmem:s19], [sflag:$0x2], $0x10, s18, s18, $0xb8;
	[tilespmem:$0x6100] =	vst v63  }
0x55: {  	_ =	swait.ge [sflag:s15], $0x800  }
0x56: {  	[sflag:s15] =	ssyncset.done $0x0  }
0x57: {  	[sflag:s15] =	ssyncadd.s32 $0xFFFFF800  }
0x58: {  	[spmem:s3] =	stream.indirect.scatter.add.f32 [tilespmem:s17], [sflag:$0x2], $0x10, s18, s18, $0xb8;
	[tilespmem:$0x6100] =	vst v63  }
0x59: {  	_ =	swait.ge [sflag:s15], $0x800  }
0x5a: {  	[sflag:s15] =	ssyncset.done $0x0  }
0x5b: {  	[sflag:s15] =	ssyncadd.s32 $0xFFFFF800  }
0x5c: {  	[bflag:$0x0] =	sbarrier.arrive $0xFFFF  }
0x5d: {  	[hbm:s9], [sflag:s8] =	dma.local [spmem:s14], $0x500  }
0x5e: {  	s21 =	sadd.s32 $0x1, s21;
	_ =	swait.ge [sflag:s15], $0x500  }
0x5f: {  	p0 =	sne.s32 s21, s11;
	[sflag:s15] =	ssyncset.done $0x0  }
.Ltmp1:
0x60: {  	[sflag:s15] =	ssyncadd.s32 $0xFFFFFB00;
	(pc) =	sbr.rel @p0 .LBB2_1-.Ltmp1, $4  }
0x61: {  	[hbm:s10], [sflag:s8] =	dma.local [spmem:s16], $0x500  }
0x62: {  	_ =	swait.ge [sflag:s15], $0x500  }
0x63: {  	[sflag:s15] =	ssyncset.done $0x0  }
0x64: {  	[sflag:s15] =	ssyncadd.s32 $0xFFFFFB00  }
0x65: {  	_ =	sfence.sel $0x180000  }
0x66: {  	[bflag:$0x0] =	sbarrier.arrive $0xFFFF  }
0x67: {  	p0 =	sne.s32 s2, $0x0;
	_ =	strace $0x90000047  }
0x68: {  	s0 =	sadd.s32 @!p0 $0x100000, s0;
	[bflag:$0x2] =	sbarrier.arrive $0xFFFF  }
0x69: {  	[sflag:s0] =	ssyncadd.tile.s32 @!p0 $0x1;
	_ =	shalt  }
.Lfunc_end2:
_tile_overlayer_lowered:
.L_overlay_start_2:
0x6a: {  	(tag) =	ssettag $0x2  }
0x6b: {  	s0 =	rddreg [dreg:$0x0];
	s2 =	stileid.u32  }
0x6c: {  	s1 =	rddreg [dreg:$0x1];
	p0 =	sne.s32 s2, $0x0  }
0x6d: {  	s3 =	rddreg [dreg:$0x2];
	[bflag:$0x3] =	sbarrier.arrive $0xFFFF;
	s2 =	simm.s32 @!p0 $0x1C02  }
0x6e: {  	[timem:s3], [sflag:s2] =	dma.local @!p0 [hbm:s0], s1  }
0x6f: {  	s0 =	simm.s32 @!p0 $0x2  }
0x70: {  	_ =	swait.ge @!p0 [sflag:s0], s1  }
0x71: {  	s1 =	ssub.s32 @!p0 $0x0, s1;
	[sflag:s0] =	ssyncset.done @!p0 $0x0  }
0x72: {  	[sflag:s0] =	ssyncadd.s32 @!p0 s1  }
0x73: {  	[bflag:$0x3] =	sbarrier.arrive $0xFFFF  }
0x74: {  	_ =	shalt  }

</sc_bundles>
